<compile_context>
chip_gen: v7x
topology: tpu7x:2x2x1
jax: 0.10.2.dev20260603
libtpu: 0.0.44.dev20260713+nightly
codegen_flags: <defaults>
</compile_context>

<pallas_src>
import dataclasses
import functools

import jax
import jax.numpy as jnp
from jax import lax
from jax.experimental import pallas as pl
from jax.experimental.pallas import tpu as pltpu
from jax.experimental.pallas import tpu_sc as plsc

_N = 10000
_E = 320000
_D = 128
_H = 128
_C = 64
_K = 8

_NPAD = 10240
_NC = 2
_NS = 16
_CHUNK = 128
_CPW = 80
_EPW = _CHUNK * _CPW
_EPAD = _EPW * _NC * _NS
_IBLK = 8

_B1 = 1024
_B3 = 512



def _deg_partials(col_pad, zeros1):
    mesh = plsc.VectorSubcoreMesh(core_axis_name="c", subcore_axis_name="s")
    cp = pltpu.CompilerParams()
    if "needs_layout_passes" in pltpu.CompilerParams.__dataclass_fields__:
        cp = dataclasses.replace(cp, needs_layout_passes=False)

    @functools.partial(
        pl.kernel, mesh=mesh, compiler_params=cp,
        out_type=jax.ShapeDtypeStruct((_NC * _NS, _NPAD), jnp.float32),
        scratch_types=[
            pltpu.VMEM((_CPW, _CHUNK), jnp.int32),
            pltpu.VMEM((_NPAD,), jnp.float32),
        ],
    )
    def k(col_hbm, z1_hbm, out_hbm, cidx, hist):
        cid = lax.axis_index("c")
        sid = lax.axis_index("s")
        wid = cid * _NS + sid
        pltpu.sync_copy(z1_hbm, hist)
        pltpu.sync_copy(col_hbm.at[pl.ds(wid * _CPW, _CPW)], cidx)
        ones16 = jnp.full((16,), 1.0, jnp.float32)

        @pl.loop(0, _CPW)
        def _(c):
            @pl.loop(0, _CHUNK // 16)
            def _(j):
                idxv = cidx[c, pl.ds(j * 16, 16)]
                plsc.addupdate_scatter(hist, [idxv], ones16)

        pltpu.sync_copy(hist, out_hbm.at[wid])

    return k(col_pad, zeros1)


_CPW0 = 152
_CPW1 = 8


def _gcn_partials(hs, row_pad, col_pad, zeros_acc):
    mesh = plsc.VectorSubcoreMesh(core_axis_name="c", subcore_axis_name="s")

    @functools.partial(
        pl.kernel, mesh=mesh,
        out_type=jax.ShapeDtypeStruct((_NC, _NPAD, _H), jnp.float32),
        scratch_types=[
            pltpu.VMEM((_IBLK, _CHUNK), jnp.int32),
            pltpu.VMEM((_IBLK, _CHUNK), jnp.int32),
            pltpu.VMEM((_CHUNK, _H), jnp.float32),
            pltpu.VMEM((_CHUNK, _H), jnp.float32),
            pltpu.VMEM_SHARED((_NPAD, _H), jnp.float32),
            pltpu.SemaphoreType.DMA,
            pltpu.SemaphoreType.DMA,
        ],
    )
    def k(hs_hbm, row_hbm, col_hbm, z_hbm, out_hbm, ridx, cidx, rows0, rows1,
          acc, sem0, sem1):
        cid = lax.axis_index("c")
        sid = lax.axis_index("s")
        rows_per = _NPAD // _NS
        pltpu.sync_copy(z_hbm.at[pl.ds(sid * rows_per, rows_per)],
                        acc.at[pl.ds(sid * rows_per, rows_per)])
        my_cpw = jnp.where(cid == 0, _CPW0, _CPW1)
        base_c = jnp.where(cid == 0, sid * _CPW0,
                           _NS * _CPW0 + sid * _CPW1)
        plsc.subcore_barrier()

        @pl.loop(0, my_cpw, step=_IBLK)
        def _(b):
            pltpu.sync_copy(row_hbm.at[pl.ds(base_c + b, _IBLK)], ridx)
            pltpu.sync_copy(col_hbm.at[pl.ds(base_c + b, _IBLK)], cidx)
            pltpu.async_copy(hs_hbm.at[ridx.at[0]], rows0, sem0)

            @pl.loop(0, _IBLK, step=2)
            def _(c):
                pltpu.async_copy(hs_hbm.at[ridx.at[c + 1]], rows1, sem1)
                pltpu.make_async_copy(hs_hbm.at[ridx.at[c]], rows0,
                                      sem0).wait()
                pltpu.sync_copy(rows0, acc.at[cidx.at[c]], add=True)

                @pl.when(c + 2 < _IBLK)
                def _():
                    pltpu.async_copy(hs_hbm.at[ridx.at[c + 2]], rows0, sem0)

                pltpu.make_async_copy(hs_hbm.at[ridx.at[c + 1]], rows1,
                                      sem1).wait()
                pltpu.sync_copy(rows1, acc.at[cidx.at[c + 1]], add=True)

        plsc.subcore_barrier()
        pltpu.sync_copy(acc.at[pl.ds(sid * rows_per, rows_per)],
                        out_hbm.at[cid, pl.ds(sid * rows_per, rows_per)])

    return k(hs, row_pad, col_pad, zeros_acc)



def _k1_body(x_ref, Win_ref, bin_ref, Wq_ref, bq_ref, Wk_ref, bk_ref,
             Wv_ref, bv_ref,
             h_ref, q_ref, v_ref, ssqq_ref, ssqk_ref, kt1_ref, ktv_ref):
    i = pl.program_id(0)
    xb = x_ref[...]
    h = jnp.maximum(jnp.dot(xb, Win_ref[...],
                            preferred_element_type=jnp.float32) + bin_ref[...], 0.0)
    ridx = lax.broadcasted_iota(jnp.int32, (_B1, 1), 0) + i * _B1
    mask = ridx < _N
    h = jnp.where(mask, h, 0.0)
    q = jnp.where(mask, jnp.dot(h, Wq_ref[...],
                                preferred_element_type=jnp.float32) + bq_ref[...], 0.0)
    kk = jnp.where(mask, jnp.dot(h, Wk_ref[...],
                                 preferred_element_type=jnp.float32) + bk_ref[...], 0.0)
    v = jnp.where(mask, jnp.dot(h, Wv_ref[...],
                                preferred_element_type=jnp.float32) + bv_ref[...], 0.0)
    h_ref[...] = h
    q_ref[...] = q
    v_ref[...] = v
    pssqq = jnp.sum(q * q, axis=(0, 1), keepdims=True)
    pssqk = jnp.sum(kk * kk, axis=(0, 1), keepdims=True)
    pkt1 = jnp.sum(kk, axis=0, keepdims=True)
    pktv = lax.dot_general(kk, v, (((0,), (0,)), ((), ())),
                           preferred_element_type=jnp.float32)

    @pl.when(i == 0)
    def _():
        ssqq_ref[...] = pssqq
        ssqk_ref[...] = pssqk
        kt1_ref[...] = pkt1
        ktv_ref[...] = pktv

    @pl.when(i > 0)
    def _():
        ssqq_ref[...] += pssqq
        ssqk_ref[...] += pssqk
        kt1_ref[...] += pkt1
        ktv_ref[...] += pktv


def _k1(x_pad, W_in, b_in, Wq, bq, Wk, bk, Wv, bv):
    nb = _NPAD // _B1
    row_spec = pl.BlockSpec((_B1, _H), lambda i: (i, 0))
    w_spec = pl.BlockSpec((_D, _H), lambda i: (0, 0))
    b_spec = pl.BlockSpec((1, _H), lambda i: (0, 0))
    return pl.pallas_call(
        _k1_body,
        grid=(nb,),
        in_specs=[row_spec, w_spec, b_spec, w_spec, b_spec, w_spec, b_spec,
                  w_spec, b_spec],
        out_specs=[row_spec, row_spec, row_spec,
                   pl.BlockSpec((1, 1), lambda i: (0, 0)),
                   pl.BlockSpec((1, 1), lambda i: (0, 0)),
                   pl.BlockSpec((1, _H), lambda i: (0, 0)),
                   pl.BlockSpec((_H, _H), lambda i: (0, 0))],
        out_shape=[jax.ShapeDtypeStruct((_NPAD, _H), jnp.float32),
                   jax.ShapeDtypeStruct((_NPAD, _H), jnp.float32),
                   jax.ShapeDtypeStruct((_NPAD, _H), jnp.float32),
                   jax.ShapeDtypeStruct((1, 1), jnp.float32),
                   jax.ShapeDtypeStruct((1, 1), jnp.float32),
                   jax.ShapeDtypeStruct((1, _H), jnp.float32),
                   jax.ShapeDtypeStruct((_H, _H), jnp.float32)],
    )(x_pad, W_in, b_in.reshape(1, _H), Wq, bq.reshape(1, _H),
      Wk, bk.reshape(1, _H), Wv, bv.reshape(1, _H))


def _k2_body(q_ref, v_ref, h_ref, deg_ref, ssqq_ref, ssqk_ref, kt1_ref,
             ktv_ref, Wg_ref, bg_ref,
             glog_ref, s_ref, hs_ref):
    qn = jnp.maximum(jnp.sqrt(ssqq_ref[...]), 1e-12)
    kn = jnp.maximum(jnp.sqrt(ssqk_ref[...]), 1e-12)
    sc = 1.0 / (qn * kn * jnp.float32(_N))
    q = q_ref[...]
    v = v_ref[...]
    an = 1.0 + jnp.sum(q * kt1_ref[...], axis=1, keepdims=True) * sc
    grep = (v + jnp.dot(q, ktv_ref[...],
                        preferred_element_type=jnp.float32) * sc)
    grep = grep / jnp.maximum(an, 1e-12)
    glog_ref[...] = jnp.dot(grep, Wg_ref[...],
                            preferred_element_type=jnp.float32) + bg_ref[...]
    deg = deg_ref[...]
    s = jnp.where(deg > 0, 1.0 / jnp.sqrt(jnp.maximum(deg, 1.0)), 0.0)
    s_ref[...] = s
    hs_ref[...] = s * h_ref[...]


def _k2(q, v, h, deg, ssqq, ssqk, kt1, ktv, Wg, bg):
    nb = _NPAD // _B1
    row_spec = pl.BlockSpec((_B1, _H), lambda i: (i, 0))
    return pl.pallas_call(
        _k2_body,
        grid=(nb,),
        in_specs=[row_spec, row_spec, row_spec,
                  pl.BlockSpec((_B1, 1), lambda i: (i, 0)),
                  pl.BlockSpec((1, 1), lambda i: (0, 0)),
                  pl.BlockSpec((1, 1), lambda i: (0, 0)),
                  pl.BlockSpec((1, _H), lambda i: (0, 0)),
                  pl.BlockSpec((_H, _H), lambda i: (0, 0)),
                  pl.BlockSpec((_H, _K), lambda i: (0, 0)),
                  pl.BlockSpec((1, _K), lambda i: (0, 0))],
        out_specs=[pl.BlockSpec((_B1, _K), lambda i: (i, 0)),
                   pl.BlockSpec((_B1, 1), lambda i: (i, 0)),
                   row_spec],
        out_shape=[jax.ShapeDtypeStruct((_NPAD, _K), jnp.float32),
                   jax.ShapeDtypeStruct((_NPAD, 1), jnp.float32),
                   jax.ShapeDtypeStruct((_NPAD, _H), jnp.float32)],
    )(q, v, h, deg, ssqq, ssqk, kt1, ktv, Wg, bg.reshape(1, _K))


def _k3_mid_body(h_ref, p_ref, s_ref, glog_ref, Wenv_ref, benv_ref,
                 Wcg_ref, Wch_ref, h_out_ref, hs_out_ref):
    h = h_ref[...]
    s = s_ref[...]
    p = p_ref[...]
    gcn = s * (p[0] + p[1])
    logits = jnp.dot(h, Wenv_ref[...],
                     preferred_element_type=jnp.float32) + benv_ref[...] + glog_ref[...]
    m = jnp.max(logits, axis=1, keepdims=True)
    e = jnp.exp(logits - m)
    w = e / jnp.sum(e, axis=1, keepdims=True)
    big = (jnp.dot(gcn, Wcg_ref[...], preferred_element_type=jnp.float32)
           + jnp.dot(h, Wch_ref[...], preferred_element_type=jnp.float32))
    acc = h
    for kk in range(_K):
        acc = acc + w[:, kk:kk + 1] * big[:, kk * _H:(kk + 1) * _H]
    hn = jnp.maximum(acc, 0.0)
    h_out_ref[...] = hn
    hs_out_ref[...] = s * hn


def _k3_last_body(h_ref, p_ref, s_ref, glog_ref, Wenv_ref, benv_ref,
                  Wcg_ref, Wch_ref, Wout_ref, bout_ref, y_ref):
    h = h_ref[...]
    s = s_ref[...]
    p = p_ref[...]
    gcn = s * (p[0] + p[1])
    logits = jnp.dot(h, Wenv_ref[...],
                     preferred_element_type=jnp.float32) + benv_ref[...] + glog_ref[...]
    m = jnp.max(logits, axis=1, keepdims=True)
    e = jnp.exp(logits - m)
    w = e / jnp.sum(e, axis=1, keepdims=True)
    big = (jnp.dot(gcn, Wcg_ref[...], preferred_element_type=jnp.float32)
           + jnp.dot(h, Wch_ref[...], preferred_element_type=jnp.float32))
    acc = h
    for kk in range(_K):
        acc = acc + w[:, kk:kk + 1] * big[:, kk * _H:(kk + 1) * _H]
    hn = jnp.maximum(acc, 0.0)
    y_ref[...] = jnp.dot(hn, Wout_ref[...],
                         preferred_element_type=jnp.float32) + bout_ref[...]


def _k3_specs():
    row_spec = pl.BlockSpec((_B3, _H), lambda i: (i, 0))
    return [row_spec,
            pl.BlockSpec((2, _B3, _H), lambda i: (0, i, 0)),
            pl.BlockSpec((_B3, 1), lambda i: (i, 0)),
            pl.BlockSpec((_B3, _K), lambda i: (i, 0)),
            pl.BlockSpec((_H, _K), lambda i: (0, 0)),
            pl.BlockSpec((1, _K), lambda i: (0, 0)),
            pl.BlockSpec((_H, _K * _H), lambda i: (0, 0)),
            pl.BlockSpec((_H, _K * _H), lambda i: (0, 0))]


def _k3_mid(h, p, s, glog, Wenv, benv, Wcg, Wch):
    nb = _NPAD // _B3
    row_spec = pl.BlockSpec((_B3, _H), lambda i: (i, 0))
    return pl.pallas_call(
        _k3_mid_body,
        grid=(nb,),
        in_specs=_k3_specs(),
        out_specs=[row_spec, row_spec],
        out_shape=[jax.ShapeDtypeStruct((_NPAD, _H), jnp.float32),
                   jax.ShapeDtypeStruct((_NPAD, _H), jnp.float32)],
    )(h, p, s, glog, Wenv, benv.reshape(1, _K), Wcg, Wch)


def _k3_last(h, p, s, glog, Wenv, benv, Wcg, Wch, W_out, b_out):
    nb = _NPAD // _B3
    return pl.pallas_call(
        _k3_last_body,
        grid=(nb,),
        in_specs=_k3_specs() + [pl.BlockSpec((_H, _C), lambda i: (0, 0)),
                                pl.BlockSpec((1, _C), lambda i: (0, 0))],
        out_specs=[pl.BlockSpec((_B3, _C), lambda i: (i, 0))],
        out_shape=[jax.ShapeDtypeStruct((_N, _C), jnp.float32)],
    )(h, p, s, glog, Wenv, benv.reshape(1, _K), Wcg, Wch, W_out,
      b_out.reshape(1, _C))[0]



def kernel(x, edge_index, W_in, b_in, Wq, bq, Wk, bk, Wv, bv, Wg, bg,
           W_env_enc, b_env_enc, W_conv, W_out, b_out):
    x_pad = jnp.pad(x, ((0, _NPAD - _N), (0, 0)))
    row = edge_index[0]
    col = edge_index[1]
    npad_e = _EPAD - _E
    row_pad = jnp.concatenate(
        [row, jnp.zeros((npad_e,), jnp.int32)]).reshape(_EPAD // _CHUNK, _CHUNK)
    col_pad = jnp.concatenate(
        [col, jnp.full((npad_e,), _NPAD - 1, jnp.int32)]).reshape(
            _EPAD // _CHUNK, _CHUNK)
    zeros_acc = jnp.zeros((_NPAD, _H), jnp.float32)

    deg2 = _deg_partials(col_pad, jnp.zeros((_NPAD,), jnp.float32))
    deg = jnp.sum(deg2, axis=0).reshape(_NPAD, 1)

    h, q, v, ssqq, ssqk, kt1, ktv = _k1(x_pad, W_in, b_in, Wq, bq, Wk, bk,
                                        Wv, bv)
    glog, s, hs = _k2(q, v, h, deg, ssqq, ssqk, kt1, ktv, Wg, bg)

    Wcg0 = W_conv[0][:, :_H, :].transpose(1, 0, 2).reshape(_H, _K * _H)
    Wch0 = W_conv[0][:, _H:, :].transpose(1, 0, 2).reshape(_H, _K * _H)
    Wcg1 = W_conv[1][:, :_H, :].transpose(1, 0, 2).reshape(_H, _K * _H)
    Wch1 = W_conv[1][:, _H:, :].transpose(1, 0, 2).reshape(_H, _K * _H)

    p0 = _gcn_partials(hs, row_pad, col_pad, zeros_acc)
    h, hs = _k3_mid(h, p0, s, glog, W_env_enc[0], b_env_enc[0], Wcg0, Wch0)

    p1 = _gcn_partials(hs, row_pad, col_pad, zeros_acc)
    return _k3_last(h, p1, s, glog, W_env_enc[1], b_env_enc[1], Wcg1, Wch1,
                    W_out, b_out)

# --- scband reference (transcript-rebuilt; emitter-appended) ---
"""Pipeline reference for scband-mlei-12970801234193 (READ-ONLY COPY).

The authoritative reference and input builder live on the scoring server;
editing this copy changes nothing except your own understanding.
"""

import jax, jax.numpy as jnp
import numpy as np

N = 10000
E = 320000
D = 128
H = 128
C = 64
K = 8
L = 2
TAU = 1.0


def _uniform(key, shape, stdv):
    return jax.random.uniform(key, shape, dtype=jnp.float32, minval=-stdv, maxval=stdv)


def setup_inputs(seed: int = 0) -> dict:
    key = jax.random.key(seed)
    ks = jax.random.split(key, 16)
    x = jax.random.normal(ks[0], (N, D), dtype=jnp.float32)
    edge_index = jax.random.randint(ks[1], (2, E), 0, N, dtype=jnp.int32)
    s = 1.0 / np.sqrt(H)
    W_in = _uniform(ks[2], (D, H), s)
    b_in = jnp.zeros((H,), jnp.float32)
    Wq = _uniform(ks[3], (H, H), s); bq = jnp.zeros((H,), jnp.float32)
    Wk = _uniform(ks[4], (H, H), s); bk = jnp.zeros((H,), jnp.float32)
    Wv = _uniform(ks[5], (H, H), s); bv = jnp.zeros((H,), jnp.float32)
    Wg = _uniform(ks[6], (H, K), s); bg = jnp.zeros((K,), jnp.float32)
    W_env_enc = _uniform(ks[7], (L, H, K), s)
    b_env_enc = jnp.zeros((L, K), jnp.float32)
    W_conv = _uniform(ks[8], (L, K, 2 * H, H), s)
    W_out = _uniform(ks[9], (H, C), 1.0 / np.sqrt(C))
    b_out = jnp.zeros((C,), jnp.float32)
    return {"x": x, "edge_index": edge_index, "W_in": W_in, "b_in": b_in,
            "Wq": Wq, "bq": bq, "Wk": Wk, "bk": bk, "Wv": Wv, "bv": bv,
            "Wg": Wg, "bg": bg, "W_env_enc": W_env_enc, "b_env_enc": b_env_enc,
            "W_conv": W_conv, "W_out": W_out, "b_out": b_out}


def gcn_conv(x, edge_index):
    row = edge_index[0]
    col = edge_index[1]
    num_nodes = x.shape[0]
    ones_e = jnp.ones((edge_index.shape[1],), x.dtype)
    deg = jax.ops.segment_sum(ones_e, col, num_segments=num_nodes)
    deg_col = deg[col]
    deg_row = deg[row]
    deg_in = jnp.where(deg_col > 0, 1.0 / jnp.sqrt(jnp.maximum(deg_col, 1.0)), 0.0)
    deg_out = jnp.where(deg_row > 0, 1.0 / jnp.sqrt(jnp.maximum(deg_row, 1.0)), 0.0)
    value = deg_in * deg_out
    value = jnp.nan_to_num(value, nan=0.0, posinf=0.0, neginf=0.0)
    # SparseTensor(row=col, col=row, value) @ x  => out[col] += value * x[row]
    return jax.ops.segment_sum(value[:, None] * x[row], col, num_segments=num_nodes)


def reference(x, edge_index, W_in, b_in, Wq, bq, Wk, bk, Wv, bv, Wg, bg,
              W_env_enc, b_env_enc, W_conv, W_out, b_out):
    # input encoder
    h = jax.nn.relu(x @ W_in + b_in)
    # LinearGraphTransformer: global environment inference (Eq. 3-6)
    q = h @ Wq + bq
    k = h @ Wk + bk
    v = h @ Wv + bv
    q = q / jnp.maximum(jnp.linalg.norm(q), 1e-12)
    k = k / jnp.maximum(jnp.linalg.norm(k), 1e-12)
    n = h.shape[0]
    ones = jnp.ones((n, 1), h.dtype)
    attn_norm = 1.0 + q @ (k.T @ ones) / n
    global_repr = v + q @ (k.T @ v) / n
    global_repr = global_repr / jnp.maximum(attn_norm, 1e-12)
    global_logits = global_repr @ Wg + bg
    # stacked CaNetConv layers with node-level env encoders, fused with global logits
    for l in range(L):
        local_logits = h @ W_env_enc[l] + b_env_enc[l]
        env_weights = jax.nn.softmax((local_logits + global_logits) / TAU, axis=-1)
        hi = gcn_conv(h, edge_index)
        hi = jnp.concatenate([hi, h], axis=1)  # [N, 2H]
        outputs = jnp.einsum('ni,kio->nko', hi, W_conv[l])  # [N, K, H]
        out = jnp.sum(env_weights[:, :, None] * outputs, axis=1)
        out = out + h  # residual
        h = jax.nn.relu(out)
    return h @ W_out + b_out

if __name__ == "__main__":
    import jax
    _d = setup_inputs()
    print(jax.jit(kernel)(*tuple(_d.values())))

</pallas_src>

<mosaic_0001>
#map = affine_map<(d0, d1) -> (0, 0)>
#map1 = affine_map<(d0, d1) -> (0, 0, 0)>
module attributes {stable_mosaic.version = 14 : i64} {
  func.func @k(%arg0: i32, %arg1: i32, %arg2: memref<10240x128xf32, #tpu.memory_space<hbm>>, %arg3: memref<2560x128xi32, #tpu.memory_space<hbm>>, %arg4: memref<2560x128xi32, #tpu.memory_space<hbm>>, %arg5: memref<10240x128xf32, #tpu.memory_space<hbm>>, %arg6: memref<2x10240x128xf32, #tpu.memory_space<hbm>>, %arg7: memref<8x128xi32, #tpu.memory_space<vmem>>, %arg8: memref<8x128xi32, #tpu.memory_space<vmem>>, %arg9: memref<128x128xf32, #tpu.memory_space<vmem>>, %arg10: memref<128x128xf32, #tpu.memory_space<vmem>>, %arg11: memref<10240x128xf32, #tpu.memory_space<vmem_shared>>, %arg12: memref<!tpu.dma_semaphore, #tpu.memory_space<semaphore_mem>>, %arg13: memref<!tpu.dma_semaphore, #tpu.memory_space<semaphore_mem>>) attributes {dimension_semantics = [#tpu.dimension_semantics<core_parallel>, #tpu.dimension_semantics<subcore_parallel>], iteration_bounds = array<i64: 2, 16>, scalar_prefetch = 0 : i64, scratch_operands = 7 : i64, tpu.core_type = #tpu.core_type<sc_vector_subcore>, window_params = [{transform_indices = #map}, {transform_indices = #map}, {transform_indices = #map}, {transform_indices = #map}, {transform_indices = #map1}]} {
    %mul3A = arith.constant 640 : i32
    %mul3A_0 = arith.muli %arg1, %mul3A : i32
    %mul3A_1 = arith.constant 640 : i32
    %mul3A_2 = arith.muli %arg1, %mul3A_1 : i32
    "tpu.region"() ({
      %run_scoped3A = tpu.sem_alloc : memref<!tpu.dma_semaphore, #tpu.memory_space<semaphore_mem>>
      %dma_start3A = arith.constant 0 : i32
      %dma_start3A_34 = tpu.memref_slice %arg11[%mul3A_2, %dma_start3A] : memref<10240x128xf32, #tpu.memory_space<vmem_shared>> -> memref<640x128xf32, #tpu.memory_space<vmem_shared>>
      %dma_start3A_35 = arith.constant 0 : i32
      %dma_start3A_36 = tpu.memref_slice %arg5[%mul3A_0, %dma_start3A_35] : memref<10240x128xf32, #tpu.memory_space<hbm>> -> memref<640x128xf32, #tpu.memory_space<hbm>>
      tpu.enqueue_dma source(%dma_start3A_36 : memref<640x128xf32, #tpu.memory_space<hbm>>) target(%dma_start3A_34 : memref<640x128xf32, #tpu.memory_space<vmem_shared>>) target_semaphore(%run_scoped3A : memref<!tpu.dma_semaphore, #tpu.memory_space<semaphore_mem>>)
      %dma_wait3A = arith.constant 0 : i32
      %dma_wait3A_37 = tpu.memref_slice %arg11[%mul3A_2, %dma_wait3A] : memref<10240x128xf32, #tpu.memory_space<vmem_shared>> -> memref<640x128xf32, #tpu.memory_space<vmem_shared>>
      %dma_wait3A_38 = arith.constant 0 : i32
      %dma_wait3A_39 = tpu.memref_slice %arg5[%mul3A_0, %dma_wait3A_38] : memref<10240x128xf32, #tpu.memory_space<hbm>> -> memref<640x128xf32, #tpu.memory_space<hbm>>
      tpu.wait_dma2 semaphore(%run_scoped3A : memref<!tpu.dma_semaphore, #tpu.memory_space<semaphore_mem>>) src(%dma_wait3A_39 : memref<640x128xf32, #tpu.memory_space<hbm>>) dst(%dma_wait3A_37 : memref<640x128xf32, #tpu.memory_space<vmem_shared>>)
      tpu.yield
    }) : () -> ()
    %eq3A = arith.constant 0 : i32
    %eq3A_3 = arith.cmpi eq, %arg0, %eq3A : i32
    %jit3A = arith.constant 152 : i32
    %jit3A_4 = arith.constant 8 : i32
    %select_n3A = arith.select %eq3A_3, %jit3A, %jit3A_4 : i32
    %eq3A_5 = arith.constant 0 : i32
    %eq3A_6 = arith.cmpi eq, %arg0, %eq3A_5 : i32
    %mul3A_7 = arith.constant 152 : i32
    %mul3A_8 = arith.muli %arg1, %mul3A_7 : i32
    %mul3A_9 = arith.constant 8 : i32
    %mul3A_10 = arith.muli %arg1, %mul3A_9 : i32
    %add3A = arith.constant 2432 : i32
    %add3A_11 = arith.addi %add3A, %mul3A_10 : i32
    %select_n3A_12 = arith.select %eq3A_6, %mul3A_8, %add3A_11 : i32
    %barrier3A = arith.constant 0 : index
    tpu.barrier barrier_id(%barrier3A)
    %sub3A = arith.constant 0 : i32
    %sub3A_13 = arith.subi %select_n3A, %sub3A : i32
    %sub3A_14 = arith.constant 8 : i32
    %sub3A_15 = arith.constant 1 : i32
    %sub3A_16 = arith.subi %sub3A_14, %sub3A_15 : i32
    %add3A_17 = arith.addi %sub3A_13, %sub3A_16 : i32
    %div3A = arith.constant 8 : i32
    %div3A_18 = arith.divsi %add3A_17, %div3A : i32
    %while3A = arith.constant 8 : i32
    %while3A_19 = arith.constant 0 : i32
    %while3A_20 = arith.constant 0 : i32
    %while3A_21 = arith.subi %div3A_18, %while3A_20 : i32
    %while3A_22 = arith.addi %while3A_20, %while3A_21 : i32
    %while3A_23 = arith.constant 1 : i32
    %while3A_24 = arith.divsi %while3A_21, %while3A_23 : i32
    %while3A_25 = arith.muli %while3A_24, %while3A_23 : i32
    %while3A_26 = arith.addi %while3A_20, %while3A_25 : i32
    %while3A_27 = arith.constant 1 : i32
    scf.for %while3A_34 = %while3A_20 to %while3A_26 step %while3A_27  : i32 {
      %mul3A_35 = arith.muli %while3A_34, %while3A : i32
      %add3A_36 = arith.addi %while3A_19, %mul3A_35 : i32
      %add3A_37 = arith.addi %select_n3A_12, %add3A_36 : i32
      "tpu.region"() ({
        %run_scoped3A = tpu.sem_alloc : memref<!tpu.dma_semaphore, #tpu.memory_space<semaphore_mem>>
        %dma_start3A_49 = arith.constant 0 : i32
        %dma_start3A_50 = tpu.memref_slice %arg3[%add3A_37, %dma_start3A_49] : memref<2560x128xi32, #tpu.memory_space<hbm>> -> memref<8x128xi32, #tpu.memory_space<hbm>>
        %dma_start3A_51 = arith.constant 0 : i32
        %dma_start3A_52 = tpu.memref_slice %arg3[%add3A_37, %dma_start3A_51] : memref<2560x128xi32, #tpu.memory_space<hbm>> -> memref<8x128xi32, #tpu.memory_space<hbm>>
        tpu.enqueue_dma source(%dma_start3A_52 : memref<8x128xi32, #tpu.memory_space<hbm>>) target(%arg7 : memref<8x128xi32, #tpu.memory_space<vmem>>) target_semaphore(%run_scoped3A : memref<!tpu.dma_semaphore, #tpu.memory_space<semaphore_mem>>)
        %dma_wait3A = arith.constant 0 : i32
        %dma_wait3A_53 = tpu.memref_slice %arg3[%add3A_37, %dma_wait3A] : memref<2560x128xi32, #tpu.memory_space<hbm>> -> memref<8x128xi32, #tpu.memory_space<hbm>>
        %dma_wait3A_54 = arith.constant 0 : i32
        %dma_wait3A_55 = tpu.memref_slice %arg3[%add3A_37, %dma_wait3A_54] : memref<2560x128xi32, #tpu.memory_space<hbm>> -> memref<8x128xi32, #tpu.memory_space<hbm>>
        tpu.wait_dma2 semaphore(%run_scoped3A : memref<!tpu.dma_semaphore, #tpu.memory_space<semaphore_mem>>) src(%dma_wait3A_55 : memref<8x128xi32, #tpu.memory_space<hbm>>) dst(%arg7 : memref<8x128xi32, #tpu.memory_space<vmem>>)
        tpu.yield
      }) : () -> ()
      %add3A_38 = arith.addi %select_n3A_12, %add3A_36 : i32
      "tpu.region"() ({
        %run_scoped3A = tpu.sem_alloc : memref<!tpu.dma_semaphore, #tpu.memory_space<semaphore_mem>>
        %dma_start3A_49 = arith.constant 0 : i32
        %dma_start3A_50 = tpu.memref_slice %arg4[%add3A_38, %dma_start3A_49] : memref<2560x128xi32, #tpu.memory_space<hbm>> -> memref<8x128xi32, #tpu.memory_space<hbm>>
        %dma_start3A_51 = arith.constant 0 : i32
        %dma_start3A_52 = tpu.memref_slice %arg4[%add3A_38, %dma_start3A_51] : memref<2560x128xi32, #tpu.memory_space<hbm>> -> memref<8x128xi32, #tpu.memory_space<hbm>>
        tpu.enqueue_dma source(%dma_start3A_52 : memref<8x128xi32, #tpu.memory_space<hbm>>) target(%arg8 : memref<8x128xi32, #tpu.memory_space<vmem>>) target_semaphore(%run_scoped3A : memref<!tpu.dma_semaphore, #tpu.memory_space<semaphore_mem>>)
        %dma_wait3A = arith.constant 0 : i32
        %dma_wait3A_53 = tpu.memref_slice %arg4[%add3A_38, %dma_wait3A] : memref<2560x128xi32, #tpu.memory_space<hbm>> -> memref<8x128xi32, #tpu.memory_space<hbm>>
        %dma_wait3A_54 = arith.constant 0 : i32
        %dma_wait3A_55 = tpu.memref_slice %arg4[%add3A_38, %dma_wait3A_54] : memref<2560x128xi32, #tpu.memory_space<hbm>> -> memref<8x128xi32, #tpu.memory_space<hbm>>
        tpu.wait_dma2 semaphore(%run_scoped3A : memref<!tpu.dma_semaphore, #tpu.memory_space<semaphore_mem>>) src(%dma_wait3A_55 : memref<8x128xi32, #tpu.memory_space<hbm>>) dst(%arg8 : memref<8x128xi32, #tpu.memory_space<vmem>>)
        tpu.yield
      }) : () -> ()
      %dma_start3A = arith.constant 0 : i32
      %dma_start3A_39 = arith.constant 0 : i32
      %dma_start3A_40 = tpu.memref_slice %arg7[%dma_start3A, %dma_start3A_39] : memref<8x128xi32, #tpu.memory_space<vmem>> -> memref<1x128xi32, #tpu.memory_space<vmem>>
      %dma_start3A_41 = tpu.memref_squeeze %dma_start3A_40 : memref<1x128xi32, #tpu.memory_space<vmem>> -> memref<128xi32, #tpu.memory_space<vmem>>
      %dma_start3A_42 = arith.constant 0 : i32
      %dma_start3A_43 = arith.constant 0 : i32
      %dma_start3A_44 = tpu.memref_slice %arg2[%dma_start3A_42, %dma_start3A_43] : memref<10240x128xf32, #tpu.memory_space<hbm>> -> memref<10240x128xf32, #tpu.memory_space<hbm>>
      tpu.enqueue_indirect_dma source(%dma_start3A_44 : memref<10240x128xf32, #tpu.memory_space<hbm>>) target(%arg9 : memref<128x128xf32, #tpu.memory_space<vmem>>) offsets(%dma_start3A_41 : memref<128xi32, #tpu.memory_space<vmem>>) semaphore(%arg12 : memref<!tpu.dma_semaphore, #tpu.memory_space<semaphore_mem>>)
      %scan3A = arith.constant 0 : i32
      %scan3A_45 = arith.constant 4 : i32
      %scan3A_46 = arith.addi %scan3A, %scan3A_45 : i32
      %scan3A_47 = arith.constant 1 : i32
      scf.for %scan3A_49 = %scan3A to %scan3A_46 step %scan3A_47  : i32 {
        %mul3A_50 = arith.constant 2 : i32
        %mul3A_51 = arith.muli %scan3A_49, %mul3A_50 : i32
        %add3A_52 = arith.constant 0 : i32
        %add3A_53 = arith.addi %add3A_52, %mul3A_51 : i32
        %add3A_54 = arith.constant 1 : i32
        %add3A_55 = arith.addi %add3A_53, %add3A_54 : i32
        %dma_start3A_56 = arith.constant 0 : i32
        %dma_start3A_57 = tpu.memref_slice %arg7[%add3A_55, %dma_start3A_56] : memref<8x128xi32, #tpu.memory_space<vmem>> -> memref<1x128xi32, #tpu.memory_space<vmem>>
        %dma_start3A_58 = tpu.memref_squeeze %dma_start3A_57 : memref<1x128xi32, #tpu.memory_space<vmem>> -> memref<128xi32, #tpu.memory_space<vmem>>
        %dma_start3A_59 = arith.constant 0 : i32
        %dma_start3A_60 = arith.constant 0 : i32
        %dma_start3A_61 = tpu.memref_slice %arg2[%dma_start3A_59, %dma_start3A_60] : memref<10240x128xf32, #tpu.memory_space<hbm>> -> memref<10240x128xf32, #tpu.memory_space<hbm>>
        tpu.enqueue_indirect_dma source(%dma_start3A_61 : memref<10240x128xf32, #tpu.memory_space<hbm>>) target(%arg10 : memref<128x128xf32, #tpu.memory_space<vmem>>) offsets(%dma_start3A_58 : memref<128xi32, #tpu.memory_space<vmem>>) semaphore(%arg13 : memref<!tpu.dma_semaphore, #tpu.memory_space<semaphore_mem>>)
        %dma_wait3A = arith.constant 0 : i32
        %dma_wait3A_62 = tpu.memref_slice %arg7[%add3A_53, %dma_wait3A] : memref<8x128xi32, #tpu.memory_space<vmem>> -> memref<1x128xi32, #tpu.memory_space<vmem>>
        %dma_wait3A_63 = tpu.memref_squeeze %dma_wait3A_62 : memref<1x128xi32, #tpu.memory_space<vmem>> -> memref<128xi32, #tpu.memory_space<vmem>>
        %dma_wait3A_64 = arith.constant 0 : i32
        %dma_wait3A_65 = arith.constant 0 : i32
        %dma_wait3A_66 = tpu.memref_slice %arg2[%dma_wait3A_64, %dma_wait3A_65] : memref<10240x128xf32, #tpu.memory_space<hbm>> -> memref<10240x128xf32, #tpu.memory_space<hbm>>
        tpu.wait_indirect_dma semaphore(%arg12 : memref<!tpu.dma_semaphore, #tpu.memory_space<semaphore_mem>>) src(%dma_wait3A_66 : memref<10240x128xf32, #tpu.memory_space<hbm>>) dst(%arg9 : memref<128x128xf32, #tpu.memory_space<vmem>>)
        "tpu.region"() ({
          %run_scoped3A = tpu.sem_alloc : memref<!tpu.dma_semaphore, #tpu.memory_space<semaphore_mem>>
          %dma_start3A_81 = arith.constant 0 : i32
          %dma_start3A_82 = tpu.memref_slice %arg8[%add3A_53, %dma_start3A_81] : memref<8x128xi32, #tpu.memory_space<vmem>> -> memref<1x128xi32, #tpu.memory_space<vmem>>
          %dma_start3A_83 = tpu.memref_squeeze %dma_start3A_82 : memref<1x128xi32, #tpu.memory_space<vmem>> -> memref<128xi32, #tpu.memory_space<vmem>>
          %dma_start3A_84 = arith.constant 0 : i32
          %dma_start3A_85 = arith.constant 0 : i32
          %dma_start3A_86 = tpu.memref_slice %arg11[%dma_start3A_84, %dma_start3A_85] : memref<10240x128xf32, #tpu.memory_space<vmem_shared>> -> memref<10240x128xf32, #tpu.memory_space<vmem_shared>>
          tpu.enqueue_indirect_dma source(%arg9 : memref<128x128xf32, #tpu.memory_space<vmem>>) target(%dma_start3A_86 : memref<10240x128xf32, #tpu.memory_space<vmem_shared>>) offsets(%dma_start3A_83 : memref<128xi32, #tpu.memory_space<vmem>>) semaphore(%run_scoped3A : memref<!tpu.dma_semaphore, #tpu.memory_space<semaphore_mem>>) {add = true}
          %dma_wait3A_87 = arith.constant 0 : i32
          %dma_wait3A_88 = tpu.memref_slice %arg8[%add3A_53, %dma_wait3A_87] : memref<8x128xi32, #tpu.memory_space<vmem>> -> memref<1x128xi32, #tpu.memory_space<vmem>>
          %dma_wait3A_89 = tpu.memref_squeeze %dma_wait3A_88 : memref<1x128xi32, #tpu.memory_space<vmem>> -> memref<128xi32, #tpu.memory_space<vmem>>
          %dma_wait3A_90 = arith.constant 0 : i32
          %dma_wait3A_91 = arith.constant 0 : i32
          %dma_wait3A_92 = tpu.memref_slice %arg11[%dma_wait3A_90, %dma_wait3A_91] : memref<10240x128xf32, #tpu.memory_space<vmem_shared>> -> memref<10240x128xf32, #tpu.memory_space<vmem_shared>>
          tpu.wait_indirect_dma semaphore(%run_scoped3A : memref<!tpu.dma_semaphore, #tpu.memory_space<semaphore_mem>>) src(%arg9 : memref<128x128xf32, #tpu.memory_space<vmem>>) dst(%dma_wait3A_92 : memref<10240x128xf32, #tpu.memory_space<vmem_shared>>)
          tpu.yield
        }) : () -> ()
        %add3A_67 = arith.constant 2 : i32
        %add3A_68 = arith.addi %add3A_53, %add3A_67 : i32
        %lt3A = arith.constant 8 : i32
        %lt3A_69 = arith.cmpi slt, %add3A_68, %lt3A : i32
        %convert_element_type3A = arith.extui %lt3A_69 : i1 to i32
        %cond3A = arith.constant 0 : i32
        %cond3A_70 = arith.cmpi ne, %convert_element_type3A, %cond3A : i32
        scf.if %cond3A_70 {
          %add3A_81 = arith.constant 2 : i32
          %add3A_82 = arith.addi %add3A_53, %add3A_81 : i32
          %dma_start3A_83 = arith.constant 0 : i32
          %dma_start3A_84 = tpu.memref_slice %arg7[%add3A_82, %dma_start3A_83] : memref<8x128xi32, #tpu.memory_space<vmem>> -> memref<1x128xi32, #tpu.memory_space<vmem>>
          %dma_start3A_85 = tpu.memref_squeeze %dma_start3A_84 : memref<1x128xi32, #tpu.memory_space<vmem>> -> memref<128xi32, #tpu.memory_space<vmem>>
          %dma_start3A_86 = arith.constant 0 : i32
          %dma_start3A_87 = arith.constant 0 : i32
          %dma_start3A_88 = tpu.memref_slice %arg2[%dma_start3A_86, %dma_start3A_87] : memref<10240x128xf32, #tpu.memory_space<hbm>> -> memref<10240x128xf32, #tpu.memory_space<hbm>>
          tpu.enqueue_indirect_dma source(%dma_start3A_88 : memref<10240x128xf32, #tpu.memory_space<hbm>>) target(%arg9 : memref<128x128xf32, #tpu.memory_space<vmem>>) offsets(%dma_start3A_85 : memref<128xi32, #tpu.memory_space<vmem>>) semaphore(%arg12 : memref<!tpu.dma_semaphore, #tpu.memory_space<semaphore_mem>>)
        } else {
        }
        %add3A_71 = arith.constant 1 : i32
        %add3A_72 = arith.addi %add3A_53, %add3A_71 : i32
        %dma_wait3A_73 = arith.constant 0 : i32
        %dma_wait3A_74 = tpu.memref_slice %arg7[%add3A_72, %dma_wait3A_73] : memref<8x128xi32, #tpu.memory_space<vmem>> -> memref<1x128xi32, #tpu.memory_space<vmem>>
        %dma_wait3A_75 = tpu.memref_squeeze %dma_wait3A_74 : memref<1x128xi32, #tpu.memory_space<vmem>> -> memref<128xi32, #tpu.memory_space<vmem>>
        %dma_wait3A_76 = arith.constant 0 : i32
        %dma_wait3A_77 = arith.constant 0 : i32
        %dma_wait3A_78 = tpu.memref_slice %arg2[%dma_wait3A_76, %dma_wait3A_77] : memref<10240x128xf32, #tpu.memory_space<hbm>> -> memref<10240x128xf32, #tpu.memory_space<hbm>>
        tpu.wait_indirect_dma semaphore(%arg13 : memref<!tpu.dma_semaphore, #tpu.memory_space<semaphore_mem>>) src(%dma_wait3A_78 : memref<10240x128xf32, #tpu.memory_space<hbm>>) dst(%arg10 : memref<128x128xf32, #tpu.memory_space<vmem>>)
        %add3A_79 = arith.constant 1 : i32
        %add3A_80 = arith.addi %add3A_53, %add3A_79 : i32
        "tpu.region"() ({
          %run_scoped3A = tpu.sem_alloc : memref<!tpu.dma_semaphore, #tpu.memory_space<semaphore_mem>>
          %dma_start3A_81 = arith.constant 0 : i32
          %dma_start3A_82 = tpu.memref_slice %arg8[%add3A_80, %dma_start3A_81] : memref<8x128xi32, #tpu.memory_space<vmem>> -> memref<1x128xi32, #tpu.memory_space<vmem>>
          %dma_start3A_83 = tpu.memref_squeeze %dma_start3A_82 : memref<1x128xi32, #tpu.memory_space<vmem>> -> memref<128xi32, #tpu.memory_space<vmem>>
          %dma_start3A_84 = arith.constant 0 : i32
          %dma_start3A_85 = arith.constant 0 : i32
          %dma_start3A_86 = tpu.memref_slice %arg11[%dma_start3A_84, %dma_start3A_85] : memref<10240x128xf32, #tpu.memory_space<vmem_shared>> -> memref<10240x128xf32, #tpu.memory_space<vmem_shared>>
          tpu.enqueue_indirect_dma source(%arg10 : memref<128x128xf32, #tpu.memory_space<vmem>>) target(%dma_start3A_86 : memref<10240x128xf32, #tpu.memory_space<vmem_shared>>) offsets(%dma_start3A_83 : memref<128xi32, #tpu.memory_space<vmem>>) semaphore(%run_scoped3A : memref<!tpu.dma_semaphore, #tpu.memory_space<semaphore_mem>>) {add = true}
          %dma_wait3A_87 = arith.constant 0 : i32
          %dma_wait3A_88 = tpu.memref_slice %arg8[%add3A_80, %dma_wait3A_87] : memref<8x128xi32, #tpu.memory_space<vmem>> -> memref<1x128xi32, #tpu.memory_space<vmem>>
          %dma_wait3A_89 = tpu.memref_squeeze %dma_wait3A_88 : memref<1x128xi32, #tpu.memory_space<vmem>> -> memref<128xi32, #tpu.memory_space<vmem>>
          %dma_wait3A_90 = arith.constant 0 : i32
          %dma_wait3A_91 = arith.constant 0 : i32
          %dma_wait3A_92 = tpu.memref_slice %arg11[%dma_wait3A_90, %dma_wait3A_91] : memref<10240x128xf32, #tpu.memory_space<vmem_shared>> -> memref<10240x128xf32, #tpu.memory_space<vmem_shared>>
          tpu.wait_indirect_dma semaphore(%run_scoped3A : memref<!tpu.dma_semaphore, #tpu.memory_space<semaphore_mem>>) src(%arg10 : memref<128x128xf32, #tpu.memory_space<vmem>>) dst(%dma_wait3A_92 : memref<10240x128xf32, #tpu.memory_space<vmem_shared>>)
          tpu.yield
        }) : () -> ()
      }
      %scan3A_48 = arith.constant 4 : i32
    }
    %while3A_28 = arith.constant 1 : i32
    scf.for %while3A_34 = %while3A_26 to %while3A_22 step %while3A_28  : i32 {
      %mul3A_35 = arith.muli %while3A_34, %while3A : i32
      %add3A_36 = arith.addi %while3A_19, %mul3A_35 : i32
      %add3A_37 = arith.addi %select_n3A_12, %add3A_36 : i32
      "tpu.region"() ({
        %run_scoped3A = tpu.sem_alloc : memref<!tpu.dma_semaphore, #tpu.memory_space<semaphore_mem>>
        %dma_start3A_49 = arith.constant 0 : i32
        %dma_start3A_50 = tpu.memref_slice %arg3[%add3A_37, %dma_start3A_49] : memref<2560x128xi32, #tpu.memory_space<hbm>> -> memref<8x128xi32, #tpu.memory_space<hbm>>
        %dma_start3A_51 = arith.constant 0 : i32
        %dma_start3A_52 = tpu.memref_slice %arg3[%add3A_37, %dma_start3A_51] : memref<2560x128xi32, #tpu.memory_space<hbm>> -> memref<8x128xi32, #tpu.memory_space<hbm>>
        tpu.enqueue_dma source(%dma_start3A_52 : memref<8x128xi32, #tpu.memory_space<hbm>>) target(%arg7 : memref<8x128xi32, #tpu.memory_space<vmem>>) target_semaphore(%run_scoped3A : memref<!tpu.dma_semaphore, #tpu.memory_space<semaphore_mem>>)
        %dma_wait3A = arith.constant 0 : i32
        %dma_wait3A_53 = tpu.memref_slice %arg3[%add3A_37, %dma_wait3A] : memref<2560x128xi32, #tpu.memory_space<hbm>> -> memref<8x128xi32, #tpu.memory_space<hbm>>
        %dma_wait3A_54 = arith.constant 0 : i32
        %dma_wait3A_55 = tpu.memref_slice %arg3[%add3A_37, %dma_wait3A_54] : memref<2560x128xi32, #tpu.memory_space<hbm>> -> memref<8x128xi32, #tpu.memory_space<hbm>>
        tpu.wait_dma2 semaphore(%run_scoped3A : memref<!tpu.dma_semaphore, #tpu.memory_space<semaphore_mem>>) src(%dma_wait3A_55 : memref<8x128xi32, #tpu.memory_space<hbm>>) dst(%arg7 : memref<8x128xi32, #tpu.memory_space<vmem>>)
        tpu.yield
      }) : () -> ()
      %add3A_38 = arith.addi %select_n3A_12, %add3A_36 : i32
      "tpu.region"() ({
        %run_scoped3A = tpu.sem_alloc : memref<!tpu.dma_semaphore, #tpu.memory_space<semaphore_mem>>
        %dma_start3A_49 = arith.constant 0 : i32
        %dma_start3A_50 = tpu.memref_slice %arg4[%add3A_38, %dma_start3A_49] : memref<2560x128xi32, #tpu.memory_space<hbm>> -> memref<8x128xi32, #tpu.memory_space<hbm>>
        %dma_start3A_51 = arith.constant 0 : i32
        %dma_start3A_52 = tpu.memref_slice %arg4[%add3A_38, %dma_start3A_51] : memref<2560x128xi32, #tpu.memory_space<hbm>> -> memref<8x128xi32, #tpu.memory_space<hbm>>
        tpu.enqueue_dma source(%dma_start3A_52 : memref<8x128xi32, #tpu.memory_space<hbm>>) target(%arg8 : memref<8x128xi32, #tpu.memory_space<vmem>>) target_semaphore(%run_scoped3A : memref<!tpu.dma_semaphore, #tpu.memory_space<semaphore_mem>>)
        %dma_wait3A = arith.constant 0 : i32
        %dma_wait3A_53 = tpu.memref_slice %arg4[%add3A_38, %dma_wait3A] : memref<2560x128xi32, #tpu.memory_space<hbm>> -> memref<8x128xi32, #tpu.memory_space<hbm>>
        %dma_wait3A_54 = arith.constant 0 : i32
        %dma_wait3A_55 = tpu.memref_slice %arg4[%add3A_38, %dma_wait3A_54] : memref<2560x128xi32, #tpu.memory_space<hbm>> -> memref<8x128xi32, #tpu.memory_space<hbm>>
        tpu.wait_dma2 semaphore(%run_scoped3A : memref<!tpu.dma_semaphore, #tpu.memory_space<semaphore_mem>>) src(%dma_wait3A_55 : memref<8x128xi32, #tpu.memory_space<hbm>>) dst(%arg8 : memref<8x128xi32, #tpu.memory_space<vmem>>)
        tpu.yield
      }) : () -> ()
      %dma_start3A = arith.constant 0 : i32
      %dma_start3A_39 = arith.constant 0 : i32
      %dma_start3A_40 = tpu.memref_slice %arg7[%dma_start3A, %dma_start3A_39] : memref<8x128xi32, #tpu.memory_space<vmem>> -> memref<1x128xi32, #tpu.memory_space<vmem>>
      %dma_start3A_41 = tpu.memref_squeeze %dma_start3A_40 : memref<1x128xi32, #tpu.memory_space<vmem>> -> memref<128xi32, #tpu.memory_space<vmem>>
      %dma_start3A_42 = arith.constant 0 : i32
      %dma_start3A_43 = arith.constant 0 : i32
      %dma_start3A_44 = tpu.memref_slice %arg2[%dma_start3A_42, %dma_start3A_43] : memref<10240x128xf32, #tpu.memory_space<hbm>> -> memref<10240x128xf32, #tpu.memory_space<hbm>>
      tpu.enqueue_indirect_dma source(%dma_start3A_44 : memref<10240x128xf32, #tpu.memory_space<hbm>>) target(%arg9 : memref<128x128xf32, #tpu.memory_space<vmem>>) offsets(%dma_start3A_41 : memref<128xi32, #tpu.memory_space<vmem>>) semaphore(%arg12 : memref<!tpu.dma_semaphore, #tpu.memory_space<semaphore_mem>>)
      %scan3A = arith.constant 0 : i32
      %scan3A_45 = arith.constant 4 : i32
      %scan3A_46 = arith.addi %scan3A, %scan3A_45 : i32
      %scan3A_47 = arith.constant 1 : i32
      scf.for %scan3A_49 = %scan3A to %scan3A_46 step %scan3A_47  : i32 {
        %mul3A_50 = arith.constant 2 : i32
        %mul3A_51 = arith.muli %scan3A_49, %mul3A_50 : i32
        %add3A_52 = arith.constant 0 : i32
        %add3A_53 = arith.addi %add3A_52, %mul3A_51 : i32
        %add3A_54 = arith.constant 1 : i32
        %add3A_55 = arith.addi %add3A_53, %add3A_54 : i32
        %dma_start3A_56 = arith.constant 0 : i32
        %dma_start3A_57 = tpu.memref_slice %arg7[%add3A_55, %dma_start3A_56] : memref<8x128xi32, #tpu.memory_space<vmem>> -> memref<1x128xi32, #tpu.memory_space<vmem>>
        %dma_start3A_58 = tpu.memref_squeeze %dma_start3A_57 : memref<1x128xi32, #tpu.memory_space<vmem>> -> memref<128xi32, #tpu.memory_space<vmem>>
        %dma_start3A_59 = arith.constant 0 : i32
        %dma_start3A_60 = arith.constant 0 : i32
        %dma_start3A_61 = tpu.memref_slice %arg2[%dma_start3A_59, %dma_start3A_60] : memref<10240x128xf32, #tpu.memory_space<hbm>> -> memref<10240x128xf32, #tpu.memory_space<hbm>>
        tpu.enqueue_indirect_dma source(%dma_start3A_61 : memref<10240x128xf32, #tpu.memory_space<hbm>>) target(%arg10 : memref<128x128xf32, #tpu.memory_space<vmem>>) offsets(%dma_start3A_58 : memref<128xi32, #tpu.memory_space<vmem>>) semaphore(%arg13 : memref<!tpu.dma_semaphore, #tpu.memory_space<semaphore_mem>>)
        %dma_wait3A = arith.constant 0 : i32
        %dma_wait3A_62 = tpu.memref_slice %arg7[%add3A_53, %dma_wait3A] : memref<8x128xi32, #tpu.memory_space<vmem>> -> memref<1x128xi32, #tpu.memory_space<vmem>>
        %dma_wait3A_63 = tpu.memref_squeeze %dma_wait3A_62 : memref<1x128xi32, #tpu.memory_space<vmem>> -> memref<128xi32, #tpu.memory_space<vmem>>
        %dma_wait3A_64 = arith.constant 0 : i32
        %dma_wait3A_65 = arith.constant 0 : i32
        %dma_wait3A_66 = tpu.memref_slice %arg2[%dma_wait3A_64, %dma_wait3A_65] : memref<10240x128xf32, #tpu.memory_space<hbm>> -> memref<10240x128xf32, #tpu.memory_space<hbm>>
        tpu.wait_indirect_dma semaphore(%arg12 : memref<!tpu.dma_semaphore, #tpu.memory_space<semaphore_mem>>) src(%dma_wait3A_66 : memref<10240x128xf32, #tpu.memory_space<hbm>>) dst(%arg9 : memref<128x128xf32, #tpu.memory_space<vmem>>)
        "tpu.region"() ({
          %run_scoped3A = tpu.sem_alloc : memref<!tpu.dma_semaphore, #tpu.memory_space<semaphore_mem>>
          %dma_start3A_81 = arith.constant 0 : i32
          %dma_start3A_82 = tpu.memref_slice %arg8[%add3A_53, %dma_start3A_81] : memref<8x128xi32, #tpu.memory_space<vmem>> -> memref<1x128xi32, #tpu.memory_space<vmem>>
          %dma_start3A_83 = tpu.memref_squeeze %dma_start3A_82 : memref<1x128xi32, #tpu.memory_space<vmem>> -> memref<128xi32, #tpu.memory_space<vmem>>
          %dma_start3A_84 = arith.constant 0 : i32
          %dma_start3A_85 = arith.constant 0 : i32
          %dma_start3A_86 = tpu.memref_slice %arg11[%dma_start3A_84, %dma_start3A_85] : memref<10240x128xf32, #tpu.memory_space<vmem_shared>> -> memref<10240x128xf32, #tpu.memory_space<vmem_shared>>
          tpu.enqueue_indirect_dma source(%arg9 : memref<128x128xf32, #tpu.memory_space<vmem>>) target(%dma_start3A_86 : memref<10240x128xf32, #tpu.memory_space<vmem_shared>>) offsets(%dma_start3A_83 : memref<128xi32, #tpu.memory_space<vmem>>) semaphore(%run_scoped3A : memref<!tpu.dma_semaphore, #tpu.memory_space<semaphore_mem>>) {add = true}
          %dma_wait3A_87 = arith.constant 0 : i32
          %dma_wait3A_88 = tpu.memref_slice %arg8[%add3A_53, %dma_wait3A_87] : memref<8x128xi32, #tpu.memory_space<vmem>> -> memref<1x128xi32, #tpu.memory_space<vmem>>
          %dma_wait3A_89 = tpu.memref_squeeze %dma_wait3A_88 : memref<1x128xi32, #tpu.memory_space<vmem>> -> memref<128xi32, #tpu.memory_space<vmem>>
          %dma_wait3A_90 = arith.constant 0 : i32
          %dma_wait3A_91 = arith.constant 0 : i32
          %dma_wait3A_92 = tpu.memref_slice %arg11[%dma_wait3A_90, %dma_wait3A_91] : memref<10240x128xf32, #tpu.memory_space<vmem_shared>> -> memref<10240x128xf32, #tpu.memory_space<vmem_shared>>
          tpu.wait_indirect_dma semaphore(%run_scoped3A : memref<!tpu.dma_semaphore, #tpu.memory_space<semaphore_mem>>) src(%arg9 : memref<128x128xf32, #tpu.memory_space<vmem>>) dst(%dma_wait3A_92 : memref<10240x128xf32, #tpu.memory_space<vmem_shared>>)
          tpu.yield
        }) : () -> ()
        %add3A_67 = arith.constant 2 : i32
        %add3A_68 = arith.addi %add3A_53, %add3A_67 : i32
        %lt3A = arith.constant 8 : i32
        %lt3A_69 = arith.cmpi slt, %add3A_68, %lt3A : i32
        %convert_element_type3A = arith.extui %lt3A_69 : i1 to i32
        %cond3A = arith.constant 0 : i32
        %cond3A_70 = arith.cmpi ne, %convert_element_type3A, %cond3A : i32
        scf.if %cond3A_70 {
          %add3A_81 = arith.constant 2 : i32
          %add3A_82 = arith.addi %add3A_53, %add3A_81 : i32
          %dma_start3A_83 = arith.constant 0 : i32
          %dma_start3A_84 = tpu.memref_slice %arg7[%add3A_82, %dma_start3A_83] : memref<8x128xi32, #tpu.memory_space<vmem>> -> memref<1x128xi32, #tpu.memory_space<vmem>>
          %dma_start3A_85 = tpu.memref_squeeze %dma_start3A_84 : memref<1x128xi32, #tpu.memory_space<vmem>> -> memref<128xi32, #tpu.memory_space<vmem>>
          %dma_start3A_86 = arith.constant 0 : i32
          %dma_start3A_87 = arith.constant 0 : i32
          %dma_start3A_88 = tpu.memref_slice %arg2[%dma_start3A_86, %dma_start3A_87] : memref<10240x128xf32, #tpu.memory_space<hbm>> -> memref<10240x128xf32, #tpu.memory_space<hbm>>
          tpu.enqueue_indirect_dma source(%dma_start3A_88 : memref<10240x128xf32, #tpu.memory_space<hbm>>) target(%arg9 : memref<128x128xf32, #tpu.memory_space<vmem>>) offsets(%dma_start3A_85 : memref<128xi32, #tpu.memory_space<vmem>>) semaphore(%arg12 : memref<!tpu.dma_semaphore, #tpu.memory_space<semaphore_mem>>)
        } else {
        }
        %add3A_71 = arith.constant 1 : i32
        %add3A_72 = arith.addi %add3A_53, %add3A_71 : i32
        %dma_wait3A_73 = arith.constant 0 : i32
        %dma_wait3A_74 = tpu.memref_slice %arg7[%add3A_72, %dma_wait3A_73] : memref<8x128xi32, #tpu.memory_space<vmem>> -> memref<1x128xi32, #tpu.memory_space<vmem>>
        %dma_wait3A_75 = tpu.memref_squeeze %dma_wait3A_74 : memref<1x128xi32, #tpu.memory_space<vmem>> -> memref<128xi32, #tpu.memory_space<vmem>>
        %dma_wait3A_76 = arith.constant 0 : i32
        %dma_wait3A_77 = arith.constant 0 : i32
        %dma_wait3A_78 = tpu.memref_slice %arg2[%dma_wait3A_76, %dma_wait3A_77] : memref<10240x128xf32, #tpu.memory_space<hbm>> -> memref<10240x128xf32, #tpu.memory_space<hbm>>
        tpu.wait_indirect_dma semaphore(%arg13 : memref<!tpu.dma_semaphore, #tpu.memory_space<semaphore_mem>>) src(%dma_wait3A_78 : memref<10240x128xf32, #tpu.memory_space<hbm>>) dst(%arg10 : memref<128x128xf32, #tpu.memory_space<vmem>>)
        %add3A_79 = arith.constant 1 : i32
        %add3A_80 = arith.addi %add3A_53, %add3A_79 : i32
        "tpu.region"() ({
          %run_scoped3A = tpu.sem_alloc : memref<!tpu.dma_semaphore, #tpu.memory_space<semaphore_mem>>
          %dma_start3A_81 = arith.constant 0 : i32
          %dma_start3A_82 = tpu.memref_slice %arg8[%add3A_80, %dma_start3A_81] : memref<8x128xi32, #tpu.memory_space<vmem>> -> memref<1x128xi32, #tpu.memory_space<vmem>>
          %dma_start3A_83 = tpu.memref_squeeze %dma_start3A_82 : memref<1x128xi32, #tpu.memory_space<vmem>> -> memref<128xi32, #tpu.memory_space<vmem>>
          %dma_start3A_84 = arith.constant 0 : i32
          %dma_start3A_85 = arith.constant 0 : i32
          %dma_start3A_86 = tpu.memref_slice %arg11[%dma_start3A_84, %dma_start3A_85] : memref<10240x128xf32, #tpu.memory_space<vmem_shared>> -> memref<10240x128xf32, #tpu.memory_space<vmem_shared>>
          tpu.enqueue_indirect_dma source(%arg10 : memref<128x128xf32, #tpu.memory_space<vmem>>) target(%dma_start3A_86 : memref<10240x128xf32, #tpu.memory_space<vmem_shared>>) offsets(%dma_start3A_83 : memref<128xi32, #tpu.memory_space<vmem>>) semaphore(%run_scoped3A : memref<!tpu.dma_semaphore, #tpu.memory_space<semaphore_mem>>) {add = true}
          %dma_wait3A_87 = arith.constant 0 : i32
          %dma_wait3A_88 = tpu.memref_slice %arg8[%add3A_80, %dma_wait3A_87] : memref<8x128xi32, #tpu.memory_space<vmem>> -> memref<1x128xi32, #tpu.memory_space<vmem>>
          %dma_wait3A_89 = tpu.memref_squeeze %dma_wait3A_88 : memref<1x128xi32, #tpu.memory_space<vmem>> -> memref<128xi32, #tpu.memory_space<vmem>>
          %dma_wait3A_90 = arith.constant 0 : i32
          %dma_wait3A_91 = arith.constant 0 : i32
          %dma_wait3A_92 = tpu.memref_slice %arg11[%dma_wait3A_90, %dma_wait3A_91] : memref<10240x128xf32, #tpu.memory_space<vmem_shared>> -> memref<10240x128xf32, #tpu.memory_space<vmem_shared>>
          tpu.wait_indirect_dma semaphore(%run_scoped3A : memref<!tpu.dma_semaphore, #tpu.memory_space<semaphore_mem>>) src(%arg10 : memref<128x128xf32, #tpu.memory_space<vmem>>) dst(%dma_wait3A_92 : memref<10240x128xf32, #tpu.memory_space<vmem_shared>>)
          tpu.yield
        }) : () -> ()
      }
      %scan3A_48 = arith.constant 4 : i32
    }
    %barrier3A_29 = arith.constant 0 : index
    tpu.barrier barrier_id(%barrier3A_29)
    %mul3A_30 = arith.constant 640 : i32
    %mul3A_31 = arith.muli %arg1, %mul3A_30 : i32
    %mul3A_32 = arith.constant 640 : i32
    %mul3A_33 = arith.muli %arg1, %mul3A_32 : i32
    "tpu.region"() ({
      %run_scoped3A = tpu.sem_alloc : memref<!tpu.dma_semaphore, #tpu.memory_space<semaphore_mem>>
      %dma_start3A = arith.constant 0 : i32
      %dma_start3A_34 = tpu.memref_slice %arg6[%arg0, %mul3A_33, %dma_start3A] : memref<2x10240x128xf32, #tpu.memory_space<hbm>> -> memref<1x640x128xf32, #tpu.memory_space<hbm>>
      %dma_start3A_35 = tpu.memref_squeeze %dma_start3A_34 : memref<1x640x128xf32, #tpu.memory_space<hbm>> -> memref<640x128xf32, #tpu.memory_space<hbm>>
      %dma_start3A_36 = arith.constant 0 : i32
      %dma_start3A_37 = tpu.memref_slice %arg11[%mul3A_31, %dma_start3A_36] : memref<10240x128xf32, #tpu.memory_space<vmem_shared>> -> memref<640x128xf32, #tpu.memory_space<vmem_shared>>
      tpu.enqueue_dma source(%dma_start3A_37 : memref<640x128xf32, #tpu.memory_space<vmem_shared>>) target(%dma_start3A_35 : memref<640x128xf32, #tpu.memory_space<hbm>>) target_semaphore(%run_scoped3A : memref<!tpu.dma_semaphore, #tpu.memory_space<semaphore_mem>>)
      %dma_wait3A = arith.constant 0 : i32
      %dma_wait3A_38 = tpu.memref_slice %arg6[%arg0, %mul3A_33, %dma_wait3A] : memref<2x10240x128xf32, #tpu.memory_space<hbm>> -> memref<1x640x128xf32, #tpu.memory_space<hbm>>
      %dma_wait3A_39 = tpu.memref_squeeze %dma_wait3A_38 : memref<1x640x128xf32, #tpu.memory_space<hbm>> -> memref<640x128xf32, #tpu.memory_space<hbm>>
      %dma_wait3A_40 = arith.constant 0 : i32
      %dma_wait3A_41 = tpu.memref_slice %arg11[%mul3A_31, %dma_wait3A_40] : memref<10240x128xf32, #tpu.memory_space<vmem_shared>> -> memref<640x128xf32, #tpu.memory_space<vmem_shared>>
      tpu.wait_dma2 semaphore(%run_scoped3A : memref<!tpu.dma_semaphore, #tpu.memory_space<semaphore_mem>>) src(%dma_wait3A_41 : memref<640x128xf32, #tpu.memory_space<vmem_shared>>) dst(%dma_wait3A_39 : memref<640x128xf32, #tpu.memory_space<hbm>>)
      tpu.yield
    }) : () -> ()
    return
  }
}

#map = affine_map<(d0, d1) -> (0, 0)>
#map1 = affine_map<(d0, d1) -> (0, 0, 0)>
module attributes {stable_mosaic.version = 14 : i64} {
  func.func @k(%arg0: i32, %arg1: i32, %arg2: memref<10240x128xf32, #tpu.memory_space<hbm>>, %arg3: memref<2560x128xi32, #tpu.memory_space<hbm>>, %arg4: memref<2560x128xi32, #tpu.memory_space<hbm>>, %arg5: memref<10240x128xf32, #tpu.memory_space<hbm>>, %arg6: memref<2x10240x128xf32, #tpu.memory_space<hbm>>, %arg7: memref<8x128xi32, #tpu.memory_space<vmem>>, %arg8: memref<8x128xi32, #tpu.memory_space<vmem>>, %arg9: memref<128x128xf32, #tpu.memory_space<vmem>>, %arg10: memref<128x128xf32, #tpu.memory_space<vmem>>, %arg11: memref<10240x128xf32, #tpu.memory_space<vmem_shared>>, %arg12: memref<!tpu.dma_semaphore, #tpu.memory_space<semaphore_mem>>, %arg13: memref<!tpu.dma_semaphore, #tpu.memory_space<semaphore_mem>>) attributes {dimension_semantics = [#tpu.dimension_semantics<core_parallel>, #tpu.dimension_semantics<subcore_parallel>], iteration_bounds = array<i64: 2, 16>, scalar_prefetch = 0 : i64, scratch_operands = 7 : i64, tpu.core_type = #tpu.core_type<sc_vector_subcore>, window_params = [{transform_indices = #map}, {transform_indices = #map}, {transform_indices = #map}, {transform_indices = #map}, {transform_indices = #map1}]} {
    %mul3A = arith.constant 640 : i32
    %mul3A_0 = arith.muli %arg1, %mul3A : i32
    %mul3A_1 = arith.constant 640 : i32
    %mul3A_2 = arith.muli %arg1, %mul3A_1 : i32
    "tpu.region"() ({
      %run_scoped3A = tpu.sem_alloc : memref<!tpu.dma_semaphore, #tpu.memory_space<semaphore_mem>>
      %dma_start3A = arith.constant 0 : i32
      %dma_start3A_34 = tpu.memref_slice %arg11[%mul3A_2, %dma_start3A] : memref<10240x128xf32, #tpu.memory_space<vmem_shared>> -> memref<640x128xf32, #tpu.memory_space<vmem_shared>>
      %dma_start3A_35 = arith.constant 0 : i32
      %dma_start3A_36 = tpu.memref_slice %arg5[%mul3A_0, %dma_start3A_35] : memref<10240x128xf32, #tpu.memory_space<hbm>> -> memref<640x128xf32, #tpu.memory_space<hbm>>
      tpu.enqueue_dma source(%dma_start3A_36 : memref<640x128xf32, #tpu.memory_space<hbm>>) target(%dma_start3A_34 : memref<640x128xf32, #tpu.memory_space<vmem_shared>>) target_semaphore(%run_scoped3A : memref<!tpu.dma_semaphore, #tpu.memory_space<semaphore_mem>>)
      %dma_wait3A = arith.constant 0 : i32
      %dma_wait3A_37 = tpu.memref_slice %arg11[%mul3A_2, %dma_wait3A] : memref<10240x128xf32, #tpu.memory_space<vmem_shared>> -> memref<640x128xf32, #tpu.memory_space<vmem_shared>>
      %dma_wait3A_38 = arith.constant 0 : i32
      %dma_wait3A_39 = tpu.memref_slice %arg5[%mul3A_0, %dma_wait3A_38] : memref<10240x128xf32, #tpu.memory_space<hbm>> -> memref<640x128xf32, #tpu.memory_space<hbm>>
      tpu.wait_dma2 semaphore(%run_scoped3A : memref<!tpu.dma_semaphore, #tpu.memory_space<semaphore_mem>>) src(%dma_wait3A_39 : memref<640x128xf32, #tpu.memory_space<hbm>>) dst(%dma_wait3A_37 : memref<640x128xf32, #tpu.memory_space<vmem_shared>>)
      tpu.yield
    }) : () -> ()
    %eq3A = arith.constant 0 : i32
    %eq3A_3 = arith.cmpi eq, %arg0, %eq3A : i32
    %jit3A = arith.constant 152 : i32
    %jit3A_4 = arith.constant 8 : i32
    %select_n3A = arith.select %eq3A_3, %jit3A, %jit3A_4 : i32
    %eq3A_5 = arith.constant 0 : i32
    %eq3A_6 = arith.cmpi eq, %arg0, %eq3A_5 : i32
    %mul3A_7 = arith.constant 152 : i32
    %mul3A_8 = arith.muli %arg1, %mul3A_7 : i32
    %mul3A_9 = arith.constant 8 : i32
    %mul3A_10 = arith.muli %arg1, %mul3A_9 : i32
    %add3A = arith.constant 2432 : i32
    %add3A_11 = arith.addi %add3A, %mul3A_10 : i32
    %select_n3A_12 = arith.select %eq3A_6, %mul3A_8, %add3A_11 : i32
    %barrier3A = arith.constant 0 : index
    tpu.barrier barrier_id(%barrier3A)
    %sub3A = arith.constant 0 : i32
    %sub3A_13 = arith.subi %select_n3A, %sub3A : i32
    %sub3A_14 = arith.constant 8 : i32
    %sub3A_15 = arith.constant 1 : i32
    %sub3A_16 = arith.subi %sub3A_14, %sub3A_15 : i32
    %add3A_17 = arith.addi %sub3A_13, %sub3A_16 : i32
    %div3A = arith.constant 8 : i32
    %div3A_18 = arith.divsi %add3A_17, %div3A : i32
    %while3A = arith.constant 8 : i32
    %while3A_19 = arith.constant 0 : i32
    %while3A_20 = arith.constant 0 : i32
    %while3A_21 = arith.subi %div3A_18, %while3A_20 : i32
    %while3A_22 = arith.addi %while3A_20, %while3A_21 : i32
    %while3A_23 = arith.constant 1 : i32
    %while3A_24 = arith.divsi %while3A_21, %while3A_23 : i32
    %while3A_25 = arith.muli %while3A_24, %while3A_23 : i32
    %while3A_26 = arith.addi %while3A_20, %while3A_25 : i32
    %while3A_27 = arith.constant 1 : i32
    scf.for %while3A_34 = %while3A_20 to %while3A_26 step %while3A_27  : i32 {
      %mul3A_35 = arith.muli %while3A_34, %while3A : i32
      %add3A_36 = arith.addi %while3A_19, %mul3A_35 : i32
      %add3A_37 = arith.addi %select_n3A_12, %add3A_36 : i32
      "tpu.region"() ({
        %run_scoped3A = tpu.sem_alloc : memref<!tpu.dma_semaphore, #tpu.memory_space<semaphore_mem>>
        %dma_start3A_49 = arith.constant 0 : i32
        %dma_start3A_50 = tpu.memref_slice %arg3[%add3A_37, %dma_start3A_49] : memref<2560x128xi32, #tpu.memory_space<hbm>> -> memref<8x128xi32, #tpu.memory_space<hbm>>
        %dma_start3A_51 = arith.constant 0 : i32
        %dma_start3A_52 = tpu.memref_slice %arg3[%add3A_37, %dma_start3A_51] : memref<2560x128xi32, #tpu.memory_space<hbm>> -> memref<8x128xi32, #tpu.memory_space<hbm>>
        tpu.enqueue_dma source(%dma_start3A_52 : memref<8x128xi32, #tpu.memory_space<hbm>>) target(%arg7 : memref<8x128xi32, #tpu.memory_space<vmem>>) target_semaphore(%run_scoped3A : memref<!tpu.dma_semaphore, #tpu.memory_space<semaphore_mem>>)
        %dma_wait3A = arith.constant 0 : i32
        %dma_wait3A_53 = tpu.memref_slice %arg3[%add3A_37, %dma_wait3A] : memref<2560x128xi32, #tpu.memory_space<hbm>> -> memref<8x128xi32, #tpu.memory_space<hbm>>
        %dma_wait3A_54 = arith.constant 0 : i32
        %dma_wait3A_55 = tpu.memref_slice %arg3[%add3A_37, %dma_wait3A_54] : memref<2560x128xi32, #tpu.memory_space<hbm>> -> memref<8x128xi32, #tpu.memory_space<hbm>>
        tpu.wait_dma2 semaphore(%run_scoped3A : memref<!tpu.dma_semaphore, #tpu.memory_space<semaphore_mem>>) src(%dma_wait3A_55 : memref<8x128xi32, #tpu.memory_space<hbm>>) dst(%arg7 : memref<8x128xi32, #tpu.memory_space<vmem>>)
        tpu.yield
      }) : () -> ()
      %add3A_38 = arith.addi %select_n3A_12, %add3A_36 : i32
      "tpu.region"() ({
        %run_scoped3A = tpu.sem_alloc : memref<!tpu.dma_semaphore, #tpu.memory_space<semaphore_mem>>
        %dma_start3A_49 = arith.constant 0 : i32
        %dma_start3A_50 = tpu.memref_slice %arg4[%add3A_38, %dma_start3A_49] : memref<2560x128xi32, #tpu.memory_space<hbm>> -> memref<8x128xi32, #tpu.memory_space<hbm>>
        %dma_start3A_51 = arith.constant 0 : i32
        %dma_start3A_52 = tpu.memref_slice %arg4[%add3A_38, %dma_start3A_51] : memref<2560x128xi32, #tpu.memory_space<hbm>> -> memref<8x128xi32, #tpu.memory_space<hbm>>
        tpu.enqueue_dma source(%dma_start3A_52 : memref<8x128xi32, #tpu.memory_space<hbm>>) target(%arg8 : memref<8x128xi32, #tpu.memory_space<vmem>>) target_semaphore(%run_scoped3A : memref<!tpu.dma_semaphore, #tpu.memory_space<semaphore_mem>>)
        %dma_wait3A = arith.constant 0 : i32
        %dma_wait3A_53 = tpu.memref_slice %arg4[%add3A_38, %dma_wait3A] : memref<2560x128xi32, #tpu.memory_space<hbm>> -> memref<8x128xi32, #tpu.memory_space<hbm>>
        %dma_wait3A_54 = arith.constant 0 : i32
        %dma_wait3A_55 = tpu.memref_slice %arg4[%add3A_38, %dma_wait3A_54] : memref<2560x128xi32, #tpu.memory_space<hbm>> -> memref<8x128xi32, #tpu.memory_space<hbm>>
        tpu.wait_dma2 semaphore(%run_scoped3A : memref<!tpu.dma_semaphore, #tpu.memory_space<semaphore_mem>>) src(%dma_wait3A_55 : memref<8x128xi32, #tpu.memory_space<hbm>>) dst(%arg8 : memref<8x128xi32, #tpu.memory_space<vmem>>)
        tpu.yield
      }) : () -> ()
      %dma_start3A = arith.constant 0 : i32
      %dma_start3A_39 = arith.constant 0 : i32
      %dma_start3A_40 = tpu.memref_slice %arg7[%dma_start3A, %dma_start3A_39] : memref<8x128xi32, #tpu.memory_space<vmem>> -> memref<1x128xi32, #tpu.memory_space<vmem>>
      %dma_start3A_41 = tpu.memref_squeeze %dma_start3A_40 : memref<1x128xi32, #tpu.memory_space<vmem>> -> memref<128xi32, #tpu.memory_space<vmem>>
      %dma_start3A_42 = arith.constant 0 : i32
      %dma_start3A_43 = arith.constant 0 : i32
      %dma_start3A_44 = tpu.memref_slice %arg2[%dma_start3A_42, %dma_start3A_43] : memref<10240x128xf32, #tpu.memory_space<hbm>> -> memref<10240x128xf32, #tpu.memory_space<hbm>>
      tpu.enqueue_indirect_dma source(%dma_start3A_44 : memref<10240x128xf32, #tpu.memory_space<hbm>>) target(%arg9 : memref<128x128xf32, #tpu.memory_space<vmem>>) offsets(%dma_start3A_41 : memref<128xi32, #tpu.memory_space<vmem>>) semaphore(%arg12 : memref<!tpu.dma_semaphore, #tpu.memory_space<semaphore_mem>>)
      %scan3A = arith.constant 0 : i32
      %scan3A_45 = arith.constant 4 : i32
      %scan3A_46 = arith.addi %scan3A, %scan3A_45 : i32
      %scan3A_47 = arith.constant 1 : i32
      scf.for %scan3A_49 = %scan3A to %scan3A_46 step %scan3A_47  : i32 {
        %mul3A_50 = arith.constant 2 : i32
        %mul3A_51 = arith.muli %scan3A_49, %mul3A_50 : i32
        %add3A_52 = arith.constant 0 : i32
        %add3A_53 = arith.addi %add3A_52, %mul3A_51 : i32
        %add3A_54 = arith.constant 1 : i32
        %add3A_55 = arith.addi %add3A_53, %add3A_54 : i32
        %dma_start3A_56 = arith.constant 0 : i32
        %dma_start3A_57 = tpu.memref_slice %arg7[%add3A_55, %dma_start3A_56] : memref<8x128xi32, #tpu.memory_space<vmem>> -> memref<1x128xi32, #tpu.memory_space<vmem>>
        %dma_start3A_58 = tpu.memref_squeeze %dma_start3A_57 : memref<1x128xi32, #tpu.memory_space<vmem>> -> memref<128xi32, #tpu.memory_space<vmem>>
        %dma_start3A_59 = arith.constant 0 : i32
        %dma_start3A_60 = arith.constant 0 : i32
        %dma_start3A_61 = tpu.memref_slice %arg2[%dma_start3A_59, %dma_start3A_60] : memref<10240x128xf32, #tpu.memory_space<hbm>> -> memref<10240x128xf32, #tpu.memory_space<hbm>>
        tpu.enqueue_indirect_dma source(%dma_start3A_61 : memref<10240x128xf32, #tpu.memory_space<hbm>>) target(%arg10 : memref<128x128xf32, #tpu.memory_space<vmem>>) offsets(%dma_start3A_58 : memref<128xi32, #tpu.memory_space<vmem>>) semaphore(%arg13 : memref<!tpu.dma_semaphore, #tpu.memory_space<semaphore_mem>>)
        %dma_wait3A = arith.constant 0 : i32
        %dma_wait3A_62 = tpu.memref_slice %arg7[%add3A_53, %dma_wait3A] : memref<8x128xi32, #tpu.memory_space<vmem>> -> memref<1x128xi32, #tpu.memory_space<vmem>>
        %dma_wait3A_63 = tpu.memref_squeeze %dma_wait3A_62 : memref<1x128xi32, #tpu.memory_space<vmem>> -> memref<128xi32, #tpu.memory_space<vmem>>
        %dma_wait3A_64 = arith.constant 0 : i32
        %dma_wait3A_65 = arith.constant 0 : i32
        %dma_wait3A_66 = tpu.memref_slice %arg2[%dma_wait3A_64, %dma_wait3A_65] : memref<10240x128xf32, #tpu.memory_space<hbm>> -> memref<10240x128xf32, #tpu.memory_space<hbm>>
        tpu.wait_indirect_dma semaphore(%arg12 : memref<!tpu.dma_semaphore, #tpu.memory_space<semaphore_mem>>) src(%dma_wait3A_66 : memref<10240x128xf32, #tpu.memory_space<hbm>>) dst(%arg9 : memref<128x128xf32, #tpu.memory_space<vmem>>)
        "tpu.region"() ({
          %run_scoped3A = tpu.sem_alloc : memref<!tpu.dma_semaphore, #tpu.memory_space<semaphore_mem>>
          %dma_start3A_81 = arith.constant 0 : i32
          %dma_start3A_82 = tpu.memref_slice %arg8[%add3A_53, %dma_start3A_81] : memref<8x128xi32, #tpu.memory_space<vmem>> -> memref<1x128xi32, #tpu.memory_space<vmem>>
          %dma_start3A_83 = tpu.memref_squeeze %dma_start3A_82 : memref<1x128xi32, #tpu.memory_space<vmem>> -> memref<128xi32, #tpu.memory_space<vmem>>
          %dma_start3A_84 = arith.constant 0 : i32
          %dma_start3A_85 = arith.constant 0 : i32
          %dma_start3A_86 = tpu.memref_slice %arg11[%dma_start3A_84, %dma_start3A_85] : memref<10240x128xf32, #tpu.memory_space<vmem_shared>> -> memref<10240x128xf32, #tpu.memory_space<vmem_shared>>
          tpu.enqueue_indirect_dma source(%arg9 : memref<128x128xf32, #tpu.memory_space<vmem>>) target(%dma_start3A_86 : memref<10240x128xf32, #tpu.memory_space<vmem_shared>>) offsets(%dma_start3A_83 : memref<128xi32, #tpu.memory_space<vmem>>) semaphore(%run_scoped3A : memref<!tpu.dma_semaphore, #tpu.memory_space<semaphore_mem>>) {add = true}
          %dma_wait3A_87 = arith.constant 0 : i32
          %dma_wait3A_88 = tpu.memref_slice %arg8[%add3A_53, %dma_wait3A_87] : memref<8x128xi32, #tpu.memory_space<vmem>> -> memref<1x128xi32, #tpu.memory_space<vmem>>
          %dma_wait3A_89 = tpu.memref_squeeze %dma_wait3A_88 : memref<1x128xi32, #tpu.memory_space<vmem>> -> memref<128xi32, #tpu.memory_space<vmem>>
          %dma_wait3A_90 = arith.constant 0 : i32
          %dma_wait3A_91 = arith.constant 0 : i32
          %dma_wait3A_92 = tpu.memref_slice %arg11[%dma_wait3A_90, %dma_wait3A_91] : memref<10240x128xf32, #tpu.memory_space<vmem_shared>> -> memref<10240x128xf32, #tpu.memory_space<vmem_shared>>
          tpu.wait_indirect_dma semaphore(%run_scoped3A : memref<!tpu.dma_semaphore, #tpu.memory_space<semaphore_mem>>) src(%arg9 : memref<128x128xf32, #tpu.memory_space<vmem>>) dst(%dma_wait3A_92 : memref<10240x128xf32, #tpu.memory_space<vmem_shared>>)
          tpu.yield
        }) : () -> ()
        %add3A_67 = arith.constant 2 : i32
        %add3A_68 = arith.addi %add3A_53, %add3A_67 : i32
        %lt3A = arith.constant 8 : i32
        %lt3A_69 = arith.cmpi slt, %add3A_68, %lt3A : i32
        %convert_element_type3A = arith.extui %lt3A_69 : i1 to i32
        %cond3A = arith.constant 0 : i32
        %cond3A_70 = arith.cmpi ne, %convert_element_type3A, %cond3A : i32
        scf.if %cond3A_70 {
          %add3A_81 = arith.constant 2 : i32
          %add3A_82 = arith.addi %add3A_53, %add3A_81 : i32
          %dma_start3A_83 = arith.constant 0 : i32
          %dma_start3A_84 = tpu.memref_slice %arg7[%add3A_82, %dma_start3A_83] : memref<8x128xi32, #tpu.memory_space<vmem>> -> memref<1x128xi32, #tpu.memory_space<vmem>>
          %dma_start3A_85 = tpu.memref_squeeze %dma_start3A_84 : memref<1x128xi32, #tpu.memory_space<vmem>> -> memref<128xi32, #tpu.memory_space<vmem>>
          %dma_start3A_86 = arith.constant 0 : i32
          %dma_start3A_87 = arith.constant 0 : i32
          %dma_start3A_88 = tpu.memref_slice %arg2[%dma_start3A_86, %dma_start3A_87] : memref<10240x128xf32, #tpu.memory_space<hbm>> -> memref<10240x128xf32, #tpu.memory_space<hbm>>
          tpu.enqueue_indirect_dma source(%dma_start3A_88 : memref<10240x128xf32, #tpu.memory_space<hbm>>) target(%arg9 : memref<128x128xf32, #tpu.memory_space<vmem>>) offsets(%dma_start3A_85 : memref<128xi32, #tpu.memory_space<vmem>>) semaphore(%arg12 : memref<!tpu.dma_semaphore, #tpu.memory_space<semaphore_mem>>)
        } else {
        }
        %add3A_71 = arith.constant 1 : i32
        %add3A_72 = arith.addi %add3A_53, %add3A_71 : i32
        %dma_wait3A_73 = arith.constant 0 : i32
        %dma_wait3A_74 = tpu.memref_slice %arg7[%add3A_72, %dma_wait3A_73] : memref<8x128xi32, #tpu.memory_space<vmem>> -> memref<1x128xi32, #tpu.memory_space<vmem>>
        %dma_wait3A_75 = tpu.memref_squeeze %dma_wait3A_74 : memref<1x128xi32, #tpu.memory_space<vmem>> -> memref<128xi32, #tpu.memory_space<vmem>>
        %dma_wait3A_76 = arith.constant 0 : i32
        %dma_wait3A_77 = arith.constant 0 : i32
        %dma_wait3A_78 = tpu.memref_slice %arg2[%dma_wait3A_76, %dma_wait3A_77] : memref<10240x128xf32, #tpu.memory_space<hbm>> -> memref<10240x128xf32, #tpu.memory_space<hbm>>
        tpu.wait_indirect_dma semaphore(%arg13 : memref<!tpu.dma_semaphore, #tpu.memory_space<semaphore_mem>>) src(%dma_wait3A_78 : memref<10240x128xf32, #tpu.memory_space<hbm>>) dst(%arg10 : memref<128x128xf32, #tpu.memory_space<vmem>>)
        %add3A_79 = arith.constant 1 : i32
        %add3A_80 = arith.addi %add3A_53, %add3A_79 : i32
        "tpu.region"() ({
          %run_scoped3A = tpu.sem_alloc : memref<!tpu.dma_semaphore, #tpu.memory_space<semaphore_mem>>
          %dma_start3A_81 = arith.constant 0 : i32
          %dma_start3A_82 = tpu.memref_slice %arg8[%add3A_80, %dma_start3A_81] : memref<8x128xi32, #tpu.memory_space<vmem>> -> memref<1x128xi32, #tpu.memory_space<vmem>>
          %dma_start3A_83 = tpu.memref_squeeze %dma_start3A_82 : memref<1x128xi32, #tpu.memory_space<vmem>> -> memref<128xi32, #tpu.memory_space<vmem>>
          %dma_start3A_84 = arith.constant 0 : i32
          %dma_start3A_85 = arith.constant 0 : i32
          %dma_start3A_86 = tpu.memref_slice %arg11[%dma_start3A_84, %dma_start3A_85] : memref<10240x128xf32, #tpu.memory_space<vmem_shared>> -> memref<10240x128xf32, #tpu.memory_space<vmem_shared>>
          tpu.enqueue_indirect_dma source(%arg10 : memref<128x128xf32, #tpu.memory_space<vmem>>) target(%dma_start3A_86 : memref<10240x128xf32, #tpu.memory_space<vmem_shared>>) offsets(%dma_start3A_83 : memref<128xi32, #tpu.memory_space<vmem>>) semaphore(%run_scoped3A : memref<!tpu.dma_semaphore, #tpu.memory_space<semaphore_mem>>) {add = true}
          %dma_wait3A_87 = arith.constant 0 : i32
          %dma_wait3A_88 = tpu.memref_slice %arg8[%add3A_80, %dma_wait3A_87] : memref<8x128xi32, #tpu.memory_space<vmem>> -> memref<1x128xi32, #tpu.memory_space<vmem>>
          %dma_wait3A_89 = tpu.memref_squeeze %dma_wait3A_88 : memref<1x128xi32, #tpu.memory_space<vmem>> -> memref<128xi32, #tpu.memory_space<vmem>>
          %dma_wait3A_90 = arith.constant 0 : i32
          %dma_wait3A_91 = arith.constant 0 : i32
          %dma_wait3A_92 = tpu.memref_slice %arg11[%dma_wait3A_90, %dma_wait3A_91] : memref<10240x128xf32, #tpu.memory_space<vmem_shared>> -> memref<10240x128xf32, #tpu.memory_space<vmem_shared>>
          tpu.wait_indirect_dma semaphore(%run_scoped3A : memref<!tpu.dma_semaphore, #tpu.memory_space<semaphore_mem>>) src(%arg10 : memref<128x128xf32, #tpu.memory_space<vmem>>) dst(%dma_wait3A_92 : memref<10240x128xf32, #tpu.memory_space<vmem_shared>>)
          tpu.yield
        }) : () -> ()
      }
      %scan3A_48 = arith.constant 4 : i32
    }
    %while3A_28 = arith.constant 1 : i32
    scf.for %while3A_34 = %while3A_26 to %while3A_22 step %while3A_28  : i32 {
      %mul3A_35 = arith.muli %while3A_34, %while3A : i32
      %add3A_36 = arith.addi %while3A_19, %mul3A_35 : i32
      %add3A_37 = arith.addi %select_n3A_12, %add3A_36 : i32
      "tpu.region"() ({
        %run_scoped3A = tpu.sem_alloc : memref<!tpu.dma_semaphore, #tpu.memory_space<semaphore_mem>>
        %dma_start3A_49 = arith.constant 0 : i32
        %dma_start3A_50 = tpu.memref_slice %arg3[%add3A_37, %dma_start3A_49] : memref<2560x128xi32, #tpu.memory_space<hbm>> -> memref<8x128xi32, #tpu.memory_space<hbm>>
        %dma_start3A_51 = arith.constant 0 : i32
        %dma_start3A_52 = tpu.memref_slice %arg3[%add3A_37, %dma_start3A_51] : memref<2560x128xi32, #tpu.memory_space<hbm>> -> memref<8x128xi32, #tpu.memory_space<hbm>>
        tpu.enqueue_dma source(%dma_start3A_52 : memref<8x128xi32, #tpu.memory_space<hbm>>) target(%arg7 : memref<8x128xi32, #tpu.memory_space<vmem>>) target_semaphore(%run_scoped3A : memref<!tpu.dma_semaphore, #tpu.memory_space<semaphore_mem>>)
        %dma_wait3A = arith.constant 0 : i32
        %dma_wait3A_53 = tpu.memref_slice %arg3[%add3A_37, %dma_wait3A] : memref<2560x128xi32, #tpu.memory_space<hbm>> -> memref<8x128xi32, #tpu.memory_space<hbm>>
        %dma_wait3A_54 = arith.constant 0 : i32
        %dma_wait3A_55 = tpu.memref_slice %arg3[%add3A_37, %dma_wait3A_54] : memref<2560x128xi32, #tpu.memory_space<hbm>> -> memref<8x128xi32, #tpu.memory_space<hbm>>
        tpu.wait_dma2 semaphore(%run_scoped3A : memref<!tpu.dma_semaphore, #tpu.memory_space<semaphore_mem>>) src(%dma_wait3A_55 : memref<8x128xi32, #tpu.memory_space<hbm>>) dst(%arg7 : memref<8x128xi32, #tpu.memory_space<vmem>>)
        tpu.yield
      }) : () -> ()
      %add3A_38 = arith.addi %select_n3A_12, %add3A_36 : i32
      "tpu.region"() ({
        %run_scoped3A = tpu.sem_alloc : memref<!tpu.dma_semaphore, #tpu.memory_space<semaphore_mem>>
        %dma_start3A_49 = arith.constant 0 : i32
        %dma_start3A_50 = tpu.memref_slice %arg4[%add3A_38, %dma_start3A_49] : memref<2560x128xi32, #tpu.memory_space<hbm>> -> memref<8x128xi32, #tpu.memory_space<hbm>>
        %dma_start3A_51 = arith.constant 0 : i32
        %dma_start3A_52 = tpu.memref_slice %arg4[%add3A_38, %dma_start3A_51] : memref<2560x128xi32, #tpu.memory_space<hbm>> -> memref<8x128xi32, #tpu.memory_space<hbm>>
        tpu.enqueue_dma source(%dma_start3A_52 : memref<8x128xi32, #tpu.memory_space<hbm>>) target(%arg8 : memref<8x128xi32, #tpu.memory_space<vmem>>) target_semaphore(%run_scoped3A : memref<!tpu.dma_semaphore, #tpu.memory_space<semaphore_mem>>)
        %dma_wait3A = arith.constant 0 : i32
        %dma_wait3A_53 = tpu.memref_slice %arg4[%add3A_38, %dma_wait3A] : memref<2560x128xi32, #tpu.memory_space<hbm>> -> memref<8x128xi32, #tpu.memory_space<hbm>>
        %dma_wait3A_54 = arith.constant 0 : i32
        %dma_wait3A_55 = tpu.memref_slice %arg4[%add3A_38, %dma_wait3A_54] : memref<2560x128xi32, #tpu.memory_space<hbm>> -> memref<8x128xi32, #tpu.memory_space<hbm>>
        tpu.wait_dma2 semaphore(%run_scoped3A : memref<!tpu.dma_semaphore, #tpu.memory_space<semaphore_mem>>) src(%dma_wait3A_55 : memref<8x128xi32, #tpu.memory_space<hbm>>) dst(%arg8 : memref<8x128xi32, #tpu.memory_space<vmem>>)
        tpu.yield
      }) : () -> ()
      %dma_start3A = arith.constant 0 : i32
      %dma_start3A_39 = arith.constant 0 : i32
      %dma_start3A_40 = tpu.memref_slice %arg7[%dma_start3A, %dma_start3A_39] : memref<8x128xi32, #tpu.memory_space<vmem>> -> memref<1x128xi32, #tpu.memory_space<vmem>>
      %dma_start3A_41 = tpu.memref_squeeze %dma_start3A_40 : memref<1x128xi32, #tpu.memory_space<vmem>> -> memref<128xi32, #tpu.memory_space<vmem>>
      %dma_start3A_42 = arith.constant 0 : i32
      %dma_start3A_43 = arith.constant 0 : i32
      %dma_start3A_44 = tpu.memref_slice %arg2[%dma_start3A_42, %dma_start3A_43] : memref<10240x128xf32, #tpu.memory_space<hbm>> -> memref<10240x128xf32, #tpu.memory_space<hbm>>
      tpu.enqueue_indirect_dma source(%dma_start3A_44 : memref<10240x128xf32, #tpu.memory_space<hbm>>) target(%arg9 : memref<128x128xf32, #tpu.memory_space<vmem>>) offsets(%dma_start3A_41 : memref<128xi32, #tpu.memory_space<vmem>>) semaphore(%arg12 : memref<!tpu.dma_semaphore, #tpu.memory_space<semaphore_mem>>)
      %scan3A = arith.constant 0 : i32
      %scan3A_45 = arith.constant 4 : i32
      %scan3A_46 = arith.addi %scan3A, %scan3A_45 : i32
      %scan3A_47 = arith.constant 1 : i32
      scf.for %scan3A_49 = %scan3A to %scan3A_46 step %scan3A_47  : i32 {
        %mul3A_50 = arith.constant 2 : i32
        %mul3A_51 = arith.muli %scan3A_49, %mul3A_50 : i32
        %add3A_52 = arith.constant 0 : i32
        %add3A_53 = arith.addi %add3A_52, %mul3A_51 : i32
        %add3A_54 = arith.constant 1 : i32
        %add3A_55 = arith.addi %add3A_53, %add3A_54 : i32
        %dma_start3A_56 = arith.constant 0 : i32
        %dma_start3A_57 = tpu.memref_slice %arg7[%add3A_55, %dma_start3A_56] : memref<8x128xi32, #tpu.memory_space<vmem>> -> memref<1x128xi32, #tpu.memory_space<vmem>>
        %dma_start3A_58 = tpu.memref_squeeze %dma_start3A_57 : memref<1x128xi32, #tpu.memory_space<vmem>> -> memref<128xi32, #tpu.memory_space<vmem>>
        %dma_start3A_59 = arith.constant 0 : i32
        %dma_start3A_60 = arith.constant 0 : i32
        %dma_start3A_61 = tpu.memref_slice %arg2[%dma_start3A_59, %dma_start3A_60] : memref<10240x128xf32, #tpu.memory_space<hbm>> -> memref<10240x128xf32, #tpu.memory_space<hbm>>
        tpu.enqueue_indirect_dma source(%dma_start3A_61 : memref<10240x128xf32, #tpu.memory_space<hbm>>) target(%arg10 : memref<128x128xf32, #tpu.memory_space<vmem>>) offsets(%dma_start3A_58 : memref<128xi32, #tpu.memory_space<vmem>>) semaphore(%arg13 : memref<!tpu.dma_semaphore, #tpu.memory_space<semaphore_mem>>)
        %dma_wait3A = arith.constant 0 : i32
        %dma_wait3A_62 = tpu.memref_slice %arg7[%add3A_53, %dma_wait3A] : memref<8x128xi32, #tpu.memory_space<vmem>> -> memref<1x128xi32, #tpu.memory_space<vmem>>
        %dma_wait3A_63 = tpu.memref_squeeze %dma_wait3A_62 : memref<1x128xi32, #tpu.memory_space<vmem>> -> memref<128xi32, #tpu.memory_space<vmem>>
        %dma_wait3A_64 = arith.constant 0 : i32
        %dma_wait3A_65 = arith.constant 0 : i32
        %dma_wait3A_66 = tpu.memref_slice %arg2[%dma_wait3A_64, %dma_wait3A_65] : memref<10240x128xf32, #tpu.memory_space<hbm>> -> memref<10240x128xf32, #tpu.memory_space<hbm>>
        tpu.wait_indirect_dma semaphore(%arg12 : memref<!tpu.dma_semaphore, #tpu.memory_space<semaphore_mem>>) src(%dma_wait3A_66 : memref<10240x128xf32, #tpu.memory_space<hbm>>) dst(%arg9 : memref<128x128xf32, #tpu.memory_space<vmem>>)
        "tpu.region"() ({
          %run_scoped3A = tpu.sem_alloc : memref<!tpu.dma_semaphore, #tpu.memory_space<semaphore_mem>>
          %dma_start3A_81 = arith.constant 0 : i32
          %dma_start3A_82 = tpu.memref_slice %arg8[%add3A_53, %dma_start3A_81] : memref<8x128xi32, #tpu.memory_space<vmem>> -> memref<1x128xi32, #tpu.memory_space<vmem>>
          %dma_start3A_83 = tpu.memref_squeeze %dma_start3A_82 : memref<1x128xi32, #tpu.memory_space<vmem>> -> memref<128xi32, #tpu.memory_space<vmem>>
          %dma_start3A_84 = arith.constant 0 : i32
          %dma_start3A_85 = arith.constant 0 : i32
          %dma_start3A_86 = tpu.memref_slice %arg11[%dma_start3A_84, %dma_start3A_85] : memref<10240x128xf32, #tpu.memory_space<vmem_shared>> -> memref<10240x128xf32, #tpu.memory_space<vmem_shared>>
          tpu.enqueue_indirect_dma source(%arg9 : memref<128x128xf32, #tpu.memory_space<vmem>>) target(%dma_start3A_86 : memref<10240x128xf32, #tpu.memory_space<vmem_shared>>) offsets(%dma_start3A_83 : memref<128xi32, #tpu.memory_space<vmem>>) semaphore(%run_scoped3A : memref<!tpu.dma_semaphore, #tpu.memory_space<semaphore_mem>>) {add = true}
          %dma_wait3A_87 = arith.constant 0 : i32
          %dma_wait3A_88 = tpu.memref_slice %arg8[%add3A_53, %dma_wait3A_87] : memref<8x128xi32, #tpu.memory_space<vmem>> -> memref<1x128xi32, #tpu.memory_space<vmem>>
          %dma_wait3A_89 = tpu.memref_squeeze %dma_wait3A_88 : memref<1x128xi32, #tpu.memory_space<vmem>> -> memref<128xi32, #tpu.memory_space<vmem>>
          %dma_wait3A_90 = arith.constant 0 : i32
          %dma_wait3A_91 = arith.constant 0 : i32
          %dma_wait3A_92 = tpu.memref_slice %arg11[%dma_wait3A_90, %dma_wait3A_91] : memref<10240x128xf32, #tpu.memory_space<vmem_shared>> -> memref<10240x128xf32, #tpu.memory_space<vmem_shared>>
          tpu.wait_indirect_dma semaphore(%run_scoped3A : memref<!tpu.dma_semaphore, #tpu.memory_space<semaphore_mem>>) src(%arg9 : memref<128x128xf32, #tpu.memory_space<vmem>>) dst(%dma_wait3A_92 : memref<10240x128xf32, #tpu.memory_space<vmem_shared>>)
          tpu.yield
        }) : () -> ()
        %add3A_67 = arith.constant 2 : i32
        %add3A_68 = arith.addi %add3A_53, %add3A_67 : i32
        %lt3A = arith.constant 8 : i32
        %lt3A_69 = arith.cmpi slt, %add3A_68, %lt3A : i32
        %convert_element_type3A = arith.extui %lt3A_69 : i1 to i32
        %cond3A = arith.constant 0 : i32
        %cond3A_70 = arith.cmpi ne, %convert_element_type3A, %cond3A : i32
        scf.if %cond3A_70 {
          %add3A_81 = arith.constant 2 : i32
          %add3A_82 = arith.addi %add3A_53, %add3A_81 : i32
          %dma_start3A_83 = arith.constant 0 : i32
          %dma_start3A_84 = tpu.memref_slice %arg7[%add3A_82, %dma_start3A_83] : memref<8x128xi32, #tpu.memory_space<vmem>> -> memref<1x128xi32, #tpu.memory_space<vmem>>
          %dma_start3A_85 = tpu.memref_squeeze %dma_start3A_84 : memref<1x128xi32, #tpu.memory_space<vmem>> -> memref<128xi32, #tpu.memory_space<vmem>>
          %dma_start3A_86 = arith.constant 0 : i32
          %dma_start3A_87 = arith.constant 0 : i32
          %dma_start3A_88 = tpu.memref_slice %arg2[%dma_start3A_86, %dma_start3A_87] : memref<10240x128xf32, #tpu.memory_space<hbm>> -> memref<10240x128xf32, #tpu.memory_space<hbm>>
          tpu.enqueue_indirect_dma source(%dma_start3A_88 : memref<10240x128xf32, #tpu.memory_space<hbm>>) target(%arg9 : memref<128x128xf32, #tpu.memory_space<vmem>>) offsets(%dma_start3A_85 : memref<128xi32, #tpu.memory_space<vmem>>) semaphore(%arg12 : memref<!tpu.dma_semaphore, #tpu.memory_space<semaphore_mem>>)
        } else {
        }
        %add3A_71 = arith.constant 1 : i32
        %add3A_72 = arith.addi %add3A_53, %add3A_71 : i32
        %dma_wait3A_73 = arith.constant 0 : i32
        %dma_wait3A_74 = tpu.memref_slice %arg7[%add3A_72, %dma_wait3A_73] : memref<8x128xi32, #tpu.memory_space<vmem>> -> memref<1x128xi32, #tpu.memory_space<vmem>>
        %dma_wait3A_75 = tpu.memref_squeeze %dma_wait3A_74 : memref<1x128xi32, #tpu.memory_space<vmem>> -> memref<128xi32, #tpu.memory_space<vmem>>
        %dma_wait3A_76 = arith.constant 0 : i32
        %dma_wait3A_77 = arith.constant 0 : i32
        %dma_wait3A_78 = tpu.memref_slice %arg2[%dma_wait3A_76, %dma_wait3A_77] : memref<10240x128xf32, #tpu.memory_space<hbm>> -> memref<10240x128xf32, #tpu.memory_space<hbm>>
        tpu.wait_indirect_dma semaphore(%arg13 : memref<!tpu.dma_semaphore, #tpu.memory_space<semaphore_mem>>) src(%dma_wait3A_78 : memref<10240x128xf32, #tpu.memory_space<hbm>>) dst(%arg10 : memref<128x128xf32, #tpu.memory_space<vmem>>)
        %add3A_79 = arith.constant 1 : i32
        %add3A_80 = arith.addi %add3A_53, %add3A_79 : i32
        "tpu.region"() ({
          %run_scoped3A = tpu.sem_alloc : memref<!tpu.dma_semaphore, #tpu.memory_space<semaphore_mem>>
          %dma_start3A_81 = arith.constant 0 : i32
          %dma_start3A_82 = tpu.memref_slice %arg8[%add3A_80, %dma_start3A_81] : memref<8x128xi32, #tpu.memory_space<vmem>> -> memref<1x128xi32, #tpu.memory_space<vmem>>
          %dma_start3A_83 = tpu.memref_squeeze %dma_start3A_82 : memref<1x128xi32, #tpu.memory_space<vmem>> -> memref<128xi32, #tpu.memory_space<vmem>>
          %dma_start3A_84 = arith.constant 0 : i32
          %dma_start3A_85 = arith.constant 0 : i32
          %dma_start3A_86 = tpu.memref_slice %arg11[%dma_start3A_84, %dma_start3A_85] : memref<10240x128xf32, #tpu.memory_space<vmem_shared>> -> memref<10240x128xf32, #tpu.memory_space<vmem_shared>>
          tpu.enqueue_indirect_dma source(%arg10 : memref<128x128xf32, #tpu.memory_space<vmem>>) target(%dma_start3A_86 : memref<10240x128xf32, #tpu.memory_space<vmem_shared>>) offsets(%dma_start3A_83 : memref<128xi32, #tpu.memory_space<vmem>>) semaphore(%run_scoped3A : memref<!tpu.dma_semaphore, #tpu.memory_space<semaphore_mem>>) {add = true}
          %dma_wait3A_87 = arith.constant 0 : i32
          %dma_wait3A_88 = tpu.memref_slice %arg8[%add3A_80, %dma_wait3A_87] : memref<8x128xi32, #tpu.memory_space<vmem>> -> memref<1x128xi32, #tpu.memory_space<vmem>>
          %dma_wait3A_89 = tpu.memref_squeeze %dma_wait3A_88 : memref<1x128xi32, #tpu.memory_space<vmem>> -> memref<128xi32, #tpu.memory_space<vmem>>
          %dma_wait3A_90 = arith.constant 0 : i32
          %dma_wait3A_91 = arith.constant 0 : i32
          %dma_wait3A_92 = tpu.memref_slice %arg11[%dma_wait3A_90, %dma_wait3A_91] : memref<10240x128xf32, #tpu.memory_space<vmem_shared>> -> memref<10240x128xf32, #tpu.memory_space<vmem_shared>>
          tpu.wait_indirect_dma semaphore(%run_scoped3A : memref<!tpu.dma_semaphore, #tpu.memory_space<semaphore_mem>>) src(%arg10 : memref<128x128xf32, #tpu.memory_space<vmem>>) dst(%dma_wait3A_92 : memref<10240x128xf32, #tpu.memory_space<vmem_shared>>)
          tpu.yield
        }) : () -> ()
      }
      %scan3A_48 = arith.constant 4 : i32
    }
    %barrier3A_29 = arith.constant 0 : index
    tpu.barrier barrier_id(%barrier3A_29)
    %mul3A_30 = arith.constant 640 : i32
    %mul3A_31 = arith.muli %arg1, %mul3A_30 : i32
    %mul3A_32 = arith.constant 640 : i32
    %mul3A_33 = arith.muli %arg1, %mul3A_32 : i32
    "tpu.region"() ({
      %run_scoped3A = tpu.sem_alloc : memref<!tpu.dma_semaphore, #tpu.memory_space<semaphore_mem>>
      %dma_start3A = arith.constant 0 : i32
      %dma_start3A_34 = tpu.memref_slice %arg6[%arg0, %mul3A_33, %dma_start3A] : memref<2x10240x128xf32, #tpu.memory_space<hbm>> -> memref<1x640x128xf32, #tpu.memory_space<hbm>>
      %dma_start3A_35 = tpu.memref_squeeze %dma_start3A_34 : memref<1x640x128xf32, #tpu.memory_space<hbm>> -> memref<640x128xf32, #tpu.memory_space<hbm>>
      %dma_start3A_36 = arith.constant 0 : i32
      %dma_start3A_37 = tpu.memref_slice %arg11[%mul3A_31, %dma_start3A_36] : memref<10240x128xf32, #tpu.memory_space<vmem_shared>> -> memref<640x128xf32, #tpu.memory_space<vmem_shared>>
      tpu.enqueue_dma source(%dma_start3A_37 : memref<640x128xf32, #tpu.memory_space<vmem_shared>>) target(%dma_start3A_35 : memref<640x128xf32, #tpu.memory_space<hbm>>) target_semaphore(%run_scoped3A : memref<!tpu.dma_semaphore, #tpu.memory_space<semaphore_mem>>)
      %dma_wait3A = arith.constant 0 : i32
      %dma_wait3A_38 = tpu.memref_slice %arg6[%arg0, %mul3A_33, %dma_wait3A] : memref<2x10240x128xf32, #tpu.memory_space<hbm>> -> memref<1x640x128xf32, #tpu.memory_space<hbm>>
      %dma_wait3A_39 = tpu.memref_squeeze %dma_wait3A_38 : memref<1x640x128xf32, #tpu.memory_space<hbm>> -> memref<640x128xf32, #tpu.memory_space<hbm>>
      %dma_wait3A_40 = arith.constant 0 : i32
      %dma_wait3A_41 = tpu.memref_slice %arg11[%mul3A_31, %dma_wait3A_40] : memref<10240x128xf32, #tpu.memory_space<vmem_shared>> -> memref<640x128xf32, #tpu.memory_space<vmem_shared>>
      tpu.wait_dma2 semaphore(%run_scoped3A : memref<!tpu.dma_semaphore, #tpu.memory_space<semaphore_mem>>) src(%dma_wait3A_41 : memref<640x128xf32, #tpu.memory_space<vmem_shared>>) dst(%dma_wait3A_39 : memref<640x128xf32, #tpu.memory_space<hbm>>)
      tpu.yield
    }) : () -> ()
    return
  }
}

#map = affine_map<(d0, d1) -> (0, 0)>
#map1 = affine_map<(d0, d1) -> (0)>
module attributes {stable_mosaic.version = 14 : i64} {
  func.func @k(%arg0: i32, %arg1: i32, %arg2: memref<2560x128xi32, #tpu.memory_space<hbm>>, %arg3: memref<10240xf32, #tpu.memory_space<hbm>>, %arg4: memref<32x10240xf32, #tpu.memory_space<hbm>>, %arg5: memref<80x128xi32, #tpu.memory_space<vmem>>, %arg6: memref<10240xf32, #tpu.memory_space<vmem>>) attributes {dimension_semantics = [#tpu.dimension_semantics<core_parallel>, #tpu.dimension_semantics<subcore_parallel>], iteration_bounds = array<i64: 2, 16>, scalar_prefetch = 0 : i64, scratch_operands = 2 : i64, tpu.core_type = #tpu.core_type<sc_vector_subcore>, window_params = [{transform_indices = #map}, {transform_indices = #map1}, {transform_indices = #map}]} {
    %mul3A = arith.constant 16 : i32
    %mul3A_0 = arith.muli %arg0, %mul3A : i32
    %add3A = arith.addi %mul3A_0, %arg1 : i32
    "tpu.region"() ({
      %run_scoped3A = tpu.sem_alloc : memref<!tpu.dma_semaphore, #tpu.memory_space<semaphore_mem>>
      tpu.enqueue_dma source(%arg3 : memref<10240xf32, #tpu.memory_space<hbm>>) target(%arg6 : memref<10240xf32, #tpu.memory_space<vmem>>) target_semaphore(%run_scoped3A : memref<!tpu.dma_semaphore, #tpu.memory_space<semaphore_mem>>)
      tpu.wait_dma2 semaphore(%run_scoped3A : memref<!tpu.dma_semaphore, #tpu.memory_space<semaphore_mem>>) src(%arg3 : memref<10240xf32, #tpu.memory_space<hbm>>) dst(%arg6 : memref<10240xf32, #tpu.memory_space<vmem>>)
      tpu.yield
    }) : () -> ()
    %mul3A_1 = arith.constant 80 : i32
    %mul3A_2 = arith.muli %add3A, %mul3A_1 : i32
    "tpu.region"() ({
      %run_scoped3A = tpu.sem_alloc : memref<!tpu.dma_semaphore, #tpu.memory_space<semaphore_mem>>
      %dma_start3A = arith.constant 0 : i32
      %dma_start3A_8 = tpu.memref_slice %arg2[%mul3A_2, %dma_start3A] : memref<2560x128xi32, #tpu.memory_space<hbm>> -> memref<80x128xi32, #tpu.memory_space<hbm>>
      %dma_start3A_9 = arith.constant 0 : i32
      %dma_start3A_10 = tpu.memref_slice %arg2[%mul3A_2, %dma_start3A_9] : memref<2560x128xi32, #tpu.memory_space<hbm>> -> memref<80x128xi32, #tpu.memory_space<hbm>>
      tpu.enqueue_dma source(%dma_start3A_10 : memref<80x128xi32, #tpu.memory_space<hbm>>) target(%arg5 : memref<80x128xi32, #tpu.memory_space<vmem>>) target_semaphore(%run_scoped3A : memref<!tpu.dma_semaphore, #tpu.memory_space<semaphore_mem>>)
      %dma_wait3A = arith.constant 0 : i32
      %dma_wait3A_11 = tpu.memref_slice %arg2[%mul3A_2, %dma_wait3A] : memref<2560x128xi32, #tpu.memory_space<hbm>> -> memref<80x128xi32, #tpu.memory_space<hbm>>
      %dma_wait3A_12 = arith.constant 0 : i32
      %dma_wait3A_13 = tpu.memref_slice %arg2[%mul3A_2, %dma_wait3A_12] : memref<2560x128xi32, #tpu.memory_space<hbm>> -> memref<80x128xi32, #tpu.memory_space<hbm>>
      tpu.wait_dma2 semaphore(%run_scoped3A : memref<!tpu.dma_semaphore, #tpu.memory_space<semaphore_mem>>) src(%dma_wait3A_13 : memref<80x128xi32, #tpu.memory_space<hbm>>) dst(%arg5 : memref<80x128xi32, #tpu.memory_space<vmem>>)
      tpu.yield
    }) : () -> ()
    %broadcast_in_dim3A = arith.constant 1.000000e+00 : f32
    %broadcast_in_dim3A_3 = vector.broadcast %broadcast_in_dim3A : f32 to vector<16xf32>
    %scan3A = arith.constant 0 : i32
    %scan3A_4 = arith.constant 80 : i32
    %scan3A_5 = arith.addi %scan3A, %scan3A_4 : i32
    %scan3A_6 = arith.constant 1 : i32
    scf.for %scan3A_8 = %scan3A to %scan3A_5 step %scan3A_6  : i32 {
      %mul3A_9 = arith.constant 1 : i32
      %mul3A_10 = arith.muli %scan3A_8, %mul3A_9 : i32
      %add3A_11 = arith.constant 0 : i32
      %add3A_12 = arith.addi %add3A_11, %mul3A_10 : i32
      %scan3A_13 = arith.constant 0 : i32
      %scan3A_14 = arith.constant 8 : i32
      %scan3A_15 = arith.addi %scan3A_13, %scan3A_14 : i32
      %scan3A_16 = arith.constant 1 : i32
      scf.for %scan3A_18 = %scan3A_13 to %scan3A_15 step %scan3A_16  : i32 {
        %mul3A_19 = arith.constant 1 : i32
        %mul3A_20 = arith.muli %scan3A_18, %mul3A_19 : i32
        %add3A_21 = arith.constant 0 : i32
        %add3A_22 = arith.addi %add3A_21, %mul3A_20 : i32
        %mul3A_23 = arith.constant 16 : i32
        %mul3A_24 = arith.muli %add3A_22, %mul3A_23 : i32
        %get3A = arith.index_cast %add3A_12 : i32 to index
        %get3A_25 = arith.index_cast %mul3A_24 : i32 to index
        %get3A_26 = tpu.vector_load %arg5[%get3A, %get3A_25] {strides = array<i32>} : memref<80x128xi32, #tpu.memory_space<vmem>>, vector<16xi32>,
        tpu.vector_store_idx %arg6[%get3A_26], %broadcast_in_dim3A_3 {add = true} : memref<10240xf32, #tpu.memory_space<vmem>>[vector<16xi32>], vector<16xf32>,
      }
      %scan3A_17 = arith.constant 8 : i32
    }
    %scan3A_7 = arith.constant 80 : i32
    "tpu.region"() ({
      %run_scoped3A = tpu.sem_alloc : memref<!tpu.dma_semaphore, #tpu.memory_space<semaphore_mem>>
      %dma_start3A = arith.constant 0 : i32
      %dma_start3A_8 = tpu.memref_slice %arg4[%add3A, %dma_start3A] : memref<32x10240xf32, #tpu.memory_space<hbm>> -> memref<1x10240xf32, #tpu.memory_space<hbm>>
      %dma_start3A_9 = tpu.memref_squeeze %dma_start3A_8 : memref<1x10240xf32, #tpu.memory_space<hbm>> -> memref<10240xf32, #tpu.memory_space<hbm>>
      %dma_start3A_10 = arith.constant 0 : i32
      %dma_start3A_11 = tpu.memref_slice %arg4[%add3A, %dma_start3A_10] : memref<32x10240xf32, #tpu.memory_space<hbm>> -> memref<1x10240xf32, #tpu.memory_space<hbm>>
      %dma_start3A_12 = tpu.memref_squeeze %dma_start3A_11 : memref<1x10240xf32, #tpu.memory_space<hbm>> -> memref<10240xf32, #tpu.memory_space<hbm>>
      tpu.enqueue_dma source(%arg6 : memref<10240xf32, #tpu.memory_space<vmem>>) target(%dma_start3A_12 : memref<10240xf32, #tpu.memory_space<hbm>>) target_semaphore(%run_scoped3A : memref<!tpu.dma_semaphore, #tpu.memory_space<semaphore_mem>>)
      %dma_wait3A = arith.constant 0 : i32
      %dma_wait3A_13 = tpu.memref_slice %arg4[%add3A, %dma_wait3A] : memref<32x10240xf32, #tpu.memory_space<hbm>> -> memref<1x10240xf32, #tpu.memory_space<hbm>>
      %dma_wait3A_14 = tpu.memref_squeeze %dma_wait3A_13 : memref<1x10240xf32, #tpu.memory_space<hbm>> -> memref<10240xf32, #tpu.memory_space<hbm>>
      %dma_wait3A_15 = arith.constant 0 : i32
      %dma_wait3A_16 = tpu.memref_slice %arg4[%add3A, %dma_wait3A_15] : memref<32x10240xf32, #tpu.memory_space<hbm>> -> memref<1x10240xf32, #tpu.memory_space<hbm>>
      %dma_wait3A_17 = tpu.memref_squeeze %dma_wait3A_16 : memref<1x10240xf32, #tpu.memory_space<hbm>> -> memref<10240xf32, #tpu.memory_space<hbm>>
      tpu.wait_dma2 semaphore(%run_scoped3A : memref<!tpu.dma_semaphore, #tpu.memory_space<semaphore_mem>>) src(%arg6 : memref<10240xf32, #tpu.memory_space<vmem>>) dst(%dma_wait3A_17 : memref<10240xf32, #tpu.memory_space<hbm>>)
      tpu.yield
    }) : () -> ()
    return
  }
}

module attributes {stable_mosaic.version = 14 : i64} {
  func.func @_k1_body(%arg0: i32, %arg1: memref<1024x128xf32, #tpu.memory_space<vmem>>, %arg2: memref<128x128xf32, #tpu.memory_space<vmem>>, %arg3: memref<1x128xf32, #tpu.memory_space<vmem>>, %arg4: memref<128x128xf32, #tpu.memory_space<vmem>>, %arg5: memref<1x128xf32, #tpu.memory_space<vmem>>, %arg6: memref<128x128xf32, #tpu.memory_space<vmem>>, %arg7: memref<1x128xf32, #tpu.memory_space<vmem>>, %arg8: memref<128x128xf32, #tpu.memory_space<vmem>>, %arg9: memref<1x128xf32, #tpu.memory_space<vmem>>, %arg10: memref<1024x128xf32, #tpu.memory_space<vmem>>, %arg11: memref<1024x128xf32, #tpu.memory_space<vmem>>, %arg12: memref<1024x128xf32, #tpu.memory_space<vmem>>, %arg13: memref<1x1xf32, #tpu.memory_space<vmem>>, %arg14: memref<1x1xf32, #tpu.memory_space<vmem>>, %arg15: memref<1x128xf32, #tpu.memory_space<vmem>>, %arg16: memref<128x128xf32, #tpu.memory_space<vmem>>) attributes {dimension_semantics = [#tpu.dimension_semantics<arbitrary>], iteration_bounds = array<i64: 10>, scalar_prefetch = 0 : i64, scratch_operands = 0 : i64, tpu.core_type = #tpu.core_type<tc>, window_params = [{transform_indices = @transform_0, window_bounds = array<i64: 1024, 128>}, {pipeline_mode = #tpu.pipeline_mode<synchronous>, transform_indices = @transform_1, window_bounds = array<i64: 128, 128>}, {pipeline_mode = #tpu.pipeline_mode<synchronous>, transform_indices = @transform_2, window_bounds = array<i64: 1, 128>}, {pipeline_mode = #tpu.pipeline_mode<synchronous>, transform_indices = @transform_3, window_bounds = array<i64: 128, 128>}, {pipeline_mode = #tpu.pipeline_mode<synchronous>, transform_indices = @transform_4, window_bounds = array<i64: 1, 128>}, {pipeline_mode = #tpu.pipeline_mode<synchronous>, transform_indices = @transform_5, window_bounds = array<i64: 128, 128>}, {pipeline_mode = #tpu.pipeline_mode<synchronous>, transform_indices = @transform_6, window_bounds = array<i64: 1, 128>}, {pipeline_mode = #tpu.pipeline_mode<synchronous>, transform_indices = @transform_7, window_bounds = array<i64: 128, 128>}, {pipeline_mode = #tpu.pipeline_mode<synchronous>, transform_indices = @transform_8, window_bounds = array<i64: 1, 128>}, {transform_indices = @transform_9, window_bounds = array<i64: 1024, 128>}, {transform_indices = @transform_10, window_bounds = array<i64: 1024, 128>}, {transform_indices = @transform_11, window_bounds = array<i64: 1024, 128>}, {pipeline_mode = #tpu.pipeline_mode<synchronous>, transform_indices = @transform_12, window_bounds = array<i64: 1, 1>}, {pipeline_mode = #tpu.pipeline_mode<synchronous>, transform_indices = @transform_13, window_bounds = array<i64: 1, 1>}, {pipeline_mode = #tpu.pipeline_mode<synchronous>, transform_indices = @transform_14, window_bounds = array<i64: 1, 128>}, {pipeline_mode = #tpu.pipeline_mode<synchronous>, transform_indices = @transform_15, window_bounds = array<i64: 128, 128>}]} {
    %get3A = arith.constant 0 : index
    %get3A_0 = arith.constant 0 : index
    %get3A_1 = vector.load %arg1[%get3A, %get3A_0] : memref<1024x128xf32, #tpu.memory_space<vmem>>, vector<1024x128xf32>
    %get3A_2 = arith.constant 0 : index
    %get3A_3 = arith.constant 0 : index
    %get3A_4 = vector.load %arg2[%get3A_2, %get3A_3] : memref<128x128xf32, #tpu.memory_space<vmem>>, vector<128x128xf32>
    %dot_general3A = arith.constant dense<0.000000e+00> : vector<1024x128xf32>
    %dot_general3A_5 = tpu.matmul %get3A_1, %get3A_4, %dot_general3A {dimension_numbers = #tpu.dot_dimension_numbers<[1], [0], [0], [1], [0, 0, 1, 1], [], []>, transpose_lhs_hint = false} : vector<1024x128xf32>, vector<128x128xf32>, vector<1024x128xf32> -> vector<1024x128xf32>
    %get3A_6 = arith.constant 0 : index
    %get3A_7 = arith.constant 0 : index
    %get3A_8 = vector.load %arg3[%get3A_6, %get3A_7] : memref<1x128xf32, #tpu.memory_space<vmem>>, vector<1x128xf32>
    %add3A = vector.broadcast %get3A_8 : vector<1x128xf32> to vector<1024x128xf32>
    %add3A_9 = arith.addf %dot_general3A_5, %add3A : vector<1024x128xf32>
    %max3A = arith.constant 0.000000e+00 : f32
    %max3A_10 = vector.broadcast %max3A : f32 to vector<1024x128xf32>
    %max3A_11 = arith.maximumf %add3A_9, %max3A_10 : vector<1024x128xf32>
    %iota3A = tpu.iota {dimensions = array<i32: 0>} : vector<1024x1xi32>
    %mul3A = arith.constant 1024 : i32
    %mul3A_12 = arith.muli %arg0, %mul3A : i32
    %add3A_13 = vector.broadcast %mul3A_12 : i32 to vector<1024x1xi32>
    %add3A_14 = arith.addi %iota3A, %add3A_13 : vector<1024x1xi32>
    %lt3A = arith.constant 10000 : i32
    %lt3A_15 = vector.broadcast %lt3A : i32 to vector<1024x1xi32>
    %lt3A_16 = arith.cmpi slt, %add3A_14, %lt3A_15 : vector<1024x1xi32>
    %jit3A = arith.constant 0.000000e+00 : f32
    %broadcast_in_dim3A = vector.shape_cast %lt3A_16 : vector<1024x1xi1> to vector<1024x1xi1>
    %broadcast_in_dim3A_17 = vector.broadcast %broadcast_in_dim3A : vector<1024x1xi1> to vector<1024x128xi1>
    %broadcast_in_dim3A_18 = vector.broadcast %jit3A : f32 to vector<1024x128xf32>
    %select_n3A = arith.select %broadcast_in_dim3A_17, %max3A_11, %broadcast_in_dim3A_18 : vector<1024x128xi1>, vector<1024x128xf32>
    %get3A_19 = arith.constant 0 : index
    %get3A_20 = arith.constant 0 : index
    %get3A_21 = vector.load %arg4[%get3A_19, %get3A_20] : memref<128x128xf32, #tpu.memory_space<vmem>>, vector<128x128xf32>
    %dot_general3A_22 = arith.constant dense<0.000000e+00> : vector<1024x128xf32>
    %dot_general3A_23 = tpu.matmul %select_n3A, %get3A_21, %dot_general3A_22 {dimension_numbers = #tpu.dot_dimension_numbers<[1], [0], [0], [1], [0, 0, 1, 1], [], []>, transpose_lhs_hint = false} : vector<1024x128xf32>, vector<128x128xf32>, vector<1024x128xf32> -> vector<1024x128xf32>
    %get3A_24 = arith.constant 0 : index
    %get3A_25 = arith.constant 0 : index
    %get3A_26 = vector.load %arg5[%get3A_24, %get3A_25] : memref<1x128xf32, #tpu.memory_space<vmem>>, vector<1x128xf32>
    %add3A_27 = vector.broadcast %get3A_26 : vector<1x128xf32> to vector<1024x128xf32>
    %add3A_28 = arith.addf %dot_general3A_23, %add3A_27 : vector<1024x128xf32>
    %jit3A_29 = arith.constant 0.000000e+00 : f32
    %broadcast_in_dim3A_30 = vector.shape_cast %lt3A_16 : vector<1024x1xi1> to vector<1024x1xi1>
    %broadcast_in_dim3A_31 = vector.broadcast %broadcast_in_dim3A_30 : vector<1024x1xi1> to vector<1024x128xi1>
    %broadcast_in_dim3A_32 = vector.broadcast %jit3A_29 : f32 to vector<1024x128xf32>
    %select_n3A_33 = arith.select %broadcast_in_dim3A_31, %add3A_28, %broadcast_in_dim3A_32 : vector<1024x128xi1>, vector<1024x128xf32>
    %get3A_34 = arith.constant 0 : index
    %get3A_35 = arith.constant 0 : index
    %get3A_36 = vector.load %arg6[%get3A_34, %get3A_35] : memref<128x128xf32, #tpu.memory_space<vmem>>, vector<128x128xf32>
    %dot_general3A_37 = arith.constant dense<0.000000e+00> : vector<1024x128xf32>
    %dot_general3A_38 = tpu.matmul %select_n3A, %get3A_36, %dot_general3A_37 {dimension_numbers = #tpu.dot_dimension_numbers<[1], [0], [0], [1], [0, 0, 1, 1], [], []>, transpose_lhs_hint = false} : vector<1024x128xf32>, vector<128x128xf32>, vector<1024x128xf32> -> vector<1024x128xf32>
    %get3A_39 = arith.constant 0 : index
    %get3A_40 = arith.constant 0 : index
    %get3A_41 = vector.load %arg7[%get3A_39, %get3A_40] : memref<1x128xf32, #tpu.memory_space<vmem>>, vector<1x128xf32>
    %add3A_42 = vector.broadcast %get3A_41 : vector<1x128xf32> to vector<1024x128xf32>
    %add3A_43 = arith.addf %dot_general3A_38, %add3A_42 : vector<1024x128xf32>
    %jit3A_44 = arith.constant 0.000000e+00 : f32
    %broadcast_in_dim3A_45 = vector.shape_cast %lt3A_16 : vector<1024x1xi1> to vector<1024x1xi1>
    %broadcast_in_dim3A_46 = vector.broadcast %broadcast_in_dim3A_45 : vector<1024x1xi1> to vector<1024x128xi1>
    %broadcast_in_dim3A_47 = vector.broadcast %jit3A_44 : f32 to vector<1024x128xf32>
    %select_n3A_48 = arith.select %broadcast_in_dim3A_46, %add3A_43, %broadcast_in_dim3A_47 : vector<1024x128xi1>, vector<1024x128xf32>
    %get3A_49 = arith.constant 0 : index
    %get3A_50 = arith.constant 0 : index
    %get3A_51 = vector.load %arg8[%get3A_49, %get3A_50] : memref<128x128xf32, #tpu.memory_space<vmem>>, vector<128x128xf32>
    %dot_general3A_52 = arith.constant dense<0.000000e+00> : vector<1024x128xf32>
    %dot_general3A_53 = tpu.matmul %select_n3A, %get3A_51, %dot_general3A_52 {dimension_numbers = #tpu.dot_dimension_numbers<[1], [0], [0], [1], [0, 0, 1, 1], [], []>, transpose_lhs_hint = false} : vector<1024x128xf32>, vector<128x128xf32>, vector<1024x128xf32> -> vector<1024x128xf32>
    %get3A_54 = arith.constant 0 : index
    %get3A_55 = arith.constant 0 : index
    %get3A_56 = vector.load %arg9[%get3A_54, %get3A_55] : memref<1x128xf32, #tpu.memory_space<vmem>>, vector<1x128xf32>
    %add3A_57 = vector.broadcast %get3A_56 : vector<1x128xf32> to vector<1024x128xf32>
    %add3A_58 = arith.addf %dot_general3A_53, %add3A_57 : vector<1024x128xf32>
    %jit3A_59 = arith.constant 0.000000e+00 : f32
    %broadcast_in_dim3A_60 = vector.shape_cast %lt3A_16 : vector<1024x1xi1> to vector<1024x1xi1>
    %broadcast_in_dim3A_61 = vector.broadcast %broadcast_in_dim3A_60 : vector<1024x1xi1> to vector<1024x128xi1>
    %broadcast_in_dim3A_62 = vector.broadcast %jit3A_59 : f32 to vector<1024x128xf32>
    %select_n3A_63 = arith.select %broadcast_in_dim3A_61, %add3A_58, %broadcast_in_dim3A_62 : vector<1024x128xi1>, vector<1024x128xf32>
    %swap3A = arith.constant 0 : index
    %swap3A_64 = arith.constant 0 : index
    %swap3A_65 = vector.load %arg10[%swap3A, %swap3A_64] : memref<1024x128xf32, #tpu.memory_space<vmem>>, vector<1024x128xf32>
    tpu.vector_store %arg10[%swap3A, %swap3A_64], %select_n3A {strides = array<i32>} : memref<1024x128xf32, #tpu.memory_space<vmem>>, vector<1024x128xf32>,
    %swap3A_66 = arith.constant 0 : index
    %swap3A_67 = arith.constant 0 : index
    %swap3A_68 = vector.load %arg11[%swap3A_66, %swap3A_67] : memref<1024x128xf32, #tpu.memory_space<vmem>>, vector<1024x128xf32>
    tpu.vector_store %arg11[%swap3A_66, %swap3A_67], %select_n3A_33 {strides = array<i32>} : memref<1024x128xf32, #tpu.memory_space<vmem>>, vector<1024x128xf32>,
    %swap3A_69 = arith.constant 0 : index
    %swap3A_70 = arith.constant 0 : index
    %swap3A_71 = vector.load %arg12[%swap3A_69, %swap3A_70] : memref<1024x128xf32, #tpu.memory_space<vmem>>, vector<1024x128xf32>
    tpu.vector_store %arg12[%swap3A_69, %swap3A_70], %select_n3A_63 {strides = array<i32>} : memref<1024x128xf32, #tpu.memory_space<vmem>>, vector<1024x128xf32>,
    %mul3A_72 = arith.mulf %select_n3A_33, %select_n3A_33 : vector<1024x128xf32>
    %reduce_sum3A = vector.shape_cast %mul3A_72 : vector<1024x128xf32> to vector<1x1024x128xf32>
    %reduce_sum3A_73 = arith.constant dense<0.000000e+00> : vector<1xf32>
    %reduce_sum3A_74 = vector.multi_reduction <add>, %reduce_sum3A, %reduce_sum3A_73 [1, 2] : vector<1x1024x128xf32> to vector<1xf32>
    %reduce_sum3A_75 = vector.shape_cast %reduce_sum3A_74 : vector<1xf32> to vector<1x1x1xf32>
    %reduce_sum3A_76 = vector.extract %reduce_sum3A_75[0, 0, 0] : f32 from vector<1x1x1xf32>
    %broadcast_in_dim3A_77 = vector.broadcast %reduce_sum3A_76 : f32 to vector<1x1xf32>
    %mul3A_78 = arith.mulf %select_n3A_48, %select_n3A_48 : vector<1024x128xf32>
    %reduce_sum3A_79 = vector.shape_cast %mul3A_78 : vector<1024x128xf32> to vector<1x1024x128xf32>
    %reduce_sum3A_80 = arith.constant dense<0.000000e+00> : vector<1xf32>
    %reduce_sum3A_81 = vector.multi_reduction <add>, %reduce_sum3A_79, %reduce_sum3A_80 [1, 2] : vector<1x1024x128xf32> to vector<1xf32>
    %reduce_sum3A_82 = vector.shape_cast %reduce_sum3A_81 : vector<1xf32> to vector<1x1x1xf32>
    %reduce_sum3A_83 = vector.extract %reduce_sum3A_82[0, 0, 0] : f32 from vector<1x1x1xf32>
    %broadcast_in_dim3A_84 = vector.broadcast %reduce_sum3A_83 : f32 to vector<1x1xf32>
    %reduce_sum3A_85 = arith.constant dense<0.000000e+00> : vector<128xf32>
    %reduce_sum3A_86 = vector.multi_reduction <add>, %select_n3A_48, %reduce_sum3A_85 [0] : vector<1024x128xf32> to vector<128xf32>
    %broadcast_in_dim3A_87 = vector.shape_cast %reduce_sum3A_86 : vector<128xf32> to vector<1x128xf32>
    %dot_general3A_88 = arith.constant dense<0.000000e+00> : vector<128x128xf32>
    %dot_general3A_89 = tpu.matmul %select_n3A_48, %select_n3A_63, %dot_general3A_88 {dimension_numbers = #tpu.dot_dimension_numbers<[0], [0], [1], [1], [0, 1, 1, 1], [], []>, transpose_lhs_hint = false} : vector<1024x128xf32>, vector<1024x128xf32>, vector<128x128xf32> -> vector<128x128xf32>
    %eq3A = arith.constant 0 : i32
    %eq3A_90 = arith.cmpi eq, %arg0, %eq3A : i32
    %convert_element_type3A = arith.extui %eq3A_90 : i1 to i32
    %cond3A = arith.constant 0 : i32
    %cond3A_91 = arith.cmpi ne, %convert_element_type3A, %cond3A : i32
    scf.if %cond3A_91 {
      %swap3A_96 = arith.constant 0 : index
      %swap3A_97 = arith.constant 0 : index
      %swap3A_98 = vector.load %arg13[%swap3A_96, %swap3A_97] : memref<1x1xf32, #tpu.memory_space<vmem>>, vector<1x1xf32>
      tpu.vector_store %arg13[%swap3A_96, %swap3A_97], %broadcast_in_dim3A_77 {strides = array<i32>} : memref<1x1xf32, #tpu.memory_space<vmem>>, vector<1x1xf32>,
      %swap3A_99 = arith.constant 0 : index
      %swap3A_100 = arith.constant 0 : index
      %swap3A_101 = vector.load %arg14[%swap3A_99, %swap3A_100] : memref<1x1xf32, #tpu.memory_space<vmem>>, vector<1x1xf32>
      tpu.vector_store %arg14[%swap3A_99, %swap3A_100], %broadcast_in_dim3A_84 {strides = array<i32>} : memref<1x1xf32, #tpu.memory_space<vmem>>, vector<1x1xf32>,
      %swap3A_102 = arith.constant 0 : index
      %swap3A_103 = arith.constant 0 : index
      %swap3A_104 = vector.load %arg15[%swap3A_102, %swap3A_103] : memref<1x128xf32, #tpu.memory_space<vmem>>, vector<1x128xf32>
      tpu.vector_store %arg15[%swap3A_102, %swap3A_103], %broadcast_in_dim3A_87 {strides = array<i32>} : memref<1x128xf32, #tpu.memory_space<vmem>>, vector<1x128xf32>,
      %swap3A_105 = arith.constant 0 : index
      %swap3A_106 = arith.constant 0 : index
      %swap3A_107 = vector.load %arg16[%swap3A_105, %swap3A_106] : memref<128x128xf32, #tpu.memory_space<vmem>>, vector<128x128xf32>
      tpu.vector_store %arg16[%swap3A_105, %swap3A_106], %dot_general3A_89 {strides = array<i32>} : memref<128x128xf32, #tpu.memory_space<vmem>>, vector<128x128xf32>,
    } else {
    }
    %gt3A = arith.constant 0 : i32
    %gt3A_92 = arith.cmpi sgt, %arg0, %gt3A : i32
    %convert_element_type3A_93 = arith.extui %gt3A_92 : i1 to i32
    %cond3A_94 = arith.constant 0 : i32
    %cond3A_95 = arith.cmpi ne, %convert_element_type3A_93, %cond3A_94 : i32
    scf.if %cond3A_95 {
      %get3A_96 = arith.constant 0 : index
      %get3A_97 = arith.constant 0 : index
      %get3A_98 = vector.load %arg13[%get3A_96, %get3A_97] : memref<1x1xf32, #tpu.memory_space<vmem>>, vector<1x1xf32>
      %add3A_99 = arith.addf %get3A_98, %broadcast_in_dim3A_77 : vector<1x1xf32>
      %swap3A_100 = arith.constant 0 : index
      %swap3A_101 = arith.constant 0 : index
      %swap3A_102 = vector.load %arg13[%swap3A_100, %swap3A_101] : memref<1x1xf32, #tpu.memory_space<vmem>>, vector<1x1xf32>
      tpu.vector_store %arg13[%swap3A_100, %swap3A_101], %add3A_99 {strides = array<i32>} : memref<1x1xf32, #tpu.memory_space<vmem>>, vector<1x1xf32>,
      %get3A_103 = arith.constant 0 : index
      %get3A_104 = arith.constant 0 : index
      %get3A_105 = vector.load %arg14[%get3A_103, %get3A_104] : memref<1x1xf32, #tpu.memory_space<vmem>>, vector<1x1xf32>
      %add3A_106 = arith.addf %get3A_105, %broadcast_in_dim3A_84 : vector<1x1xf32>
      %swap3A_107 = arith.constant 0 : index
      %swap3A_108 = arith.constant 0 : index
      %swap3A_109 = vector.load %arg14[%swap3A_107, %swap3A_108] : memref<1x1xf32, #tpu.memory_space<vmem>>, vector<1x1xf32>
      tpu.vector_store %arg14[%swap3A_107, %swap3A_108], %add3A_106 {strides = array<i32>} : memref<1x1xf32, #tpu.memory_space<vmem>>, vector<1x1xf32>,
      %get3A_110 = arith.constant 0 : index
      %get3A_111 = arith.constant 0 : index
      %get3A_112 = vector.load %arg15[%get3A_110, %get3A_111] : memref<1x128xf32, #tpu.memory_space<vmem>>, vector<1x128xf32>
      %add3A_113 = arith.addf %get3A_112, %broadcast_in_dim3A_87 : vector<1x128xf32>
      %swap3A_114 = arith.constant 0 : index
      %swap3A_115 = arith.constant 0 : index
      %swap3A_116 = vector.load %arg15[%swap3A_114, %swap3A_115] : memref<1x128xf32, #tpu.memory_space<vmem>>, vector<1x128xf32>
      tpu.vector_store %arg15[%swap3A_114, %swap3A_115], %add3A_113 {strides = array<i32>} : memref<1x128xf32, #tpu.memory_space<vmem>>, vector<1x128xf32>,
      %get3A_117 = arith.constant 0 : index
      %get3A_118 = arith.constant 0 : index
      %get3A_119 = vector.load %arg16[%get3A_117, %get3A_118] : memref<128x128xf32, #tpu.memory_space<vmem>>, vector<128x128xf32>
      %add3A_120 = arith.addf %get3A_119, %dot_general3A_89 : vector<128x128xf32>
      %swap3A_121 = arith.constant 0 : index
      %swap3A_122 = arith.constant 0 : index
      %swap3A_123 = vector.load %arg16[%swap3A_121, %swap3A_122] : memref<128x128xf32, #tpu.memory_space<vmem>>, vector<128x128xf32>
      tpu.vector_store %arg16[%swap3A_121, %swap3A_122], %add3A_120 {strides = array<i32>} : memref<128x128xf32, #tpu.memory_space<vmem>>, vector<128x128xf32>,
    } else {
    }
    return
  }
  func.func @transform_0(%arg0: i32) -> (i32, i32) {
    %c0_i32 = arith.constant 0 : i32
    %c0_i32_0 = arith.constant 0 : i32
    return %arg0, %c0_i32 : i32, i32
  }
  func.func @transform_1(%arg0: i32) -> (i32, i32) {
    %c0_i32 = arith.constant 0 : i32
    %c0_i32_0 = arith.constant 0 : i32
    %c0_i32_1 = arith.constant 0 : i32
    return %c0_i32, %c0_i32_0 : i32, i32
  }
  func.func @transform_2(%arg0: i32) -> (i32, i32) {
    %c0_i32 = arith.constant 0 : i32
    %c0_i32_0 = arith.constant 0 : i32
    %c0_i32_1 = arith.constant 0 : i32
    return %c0_i32, %c0_i32_0 : i32, i32
  }
  func.func @transform_3(%arg0: i32) -> (i32, i32) {
    %c0_i32 = arith.constant 0 : i32
    %c0_i32_0 = arith.constant 0 : i32
    %c0_i32_1 = arith.constant 0 : i32
    return %c0_i32, %c0_i32_0 : i32, i32
  }
  func.func @transform_4(%arg0: i32) -> (i32, i32) {
    %c0_i32 = arith.constant 0 : i32
    %c0_i32_0 = arith.constant 0 : i32
    %c0_i32_1 = arith.constant 0 : i32
    return %c0_i32, %c0_i32_0 : i32, i32
  }
  func.func @transform_5(%arg0: i32) -> (i32, i32) {
    %c0_i32 = arith.constant 0 : i32
    %c0_i32_0 = arith.constant 0 : i32
    %c0_i32_1 = arith.constant 0 : i32
    return %c0_i32, %c0_i32_0 : i32, i32
  }
  func.func @transform_6(%arg0: i32) -> (i32, i32) {
    %c0_i32 = arith.constant 0 : i32
    %c0_i32_0 = arith.constant 0 : i32
    %c0_i32_1 = arith.constant 0 : i32
    return %c0_i32, %c0_i32_0 : i32, i32
  }
  func.func @transform_7(%arg0: i32) -> (i32, i32) {
    %c0_i32 = arith.constant 0 : i32
    %c0_i32_0 = arith.constant 0 : i32
    %c0_i32_1 = arith.constant 0 : i32
    return %c0_i32, %c0_i32_0 : i32, i32
  }
  func.func @transform_8(%arg0: i32) -> (i32, i32) {
    %c0_i32 = arith.constant 0 : i32
    %c0_i32_0 = arith.constant 0 : i32
    %c0_i32_1 = arith.constant 0 : i32
    return %c0_i32, %c0_i32_0 : i32, i32
  }
  func.func @transform_9(%arg0: i32) -> (i32, i32) {
    %c0_i32 = arith.constant 0 : i32
    %c0_i32_0 = arith.constant 0 : i32
    return %arg0, %c0_i32 : i32, i32
  }
  func.func @transform_10(%arg0: i32) -> (i32, i32) {
    %c0_i32 = arith.constant 0 : i32
    %c0_i32_0 = arith.constant 0 : i32
    return %arg0, %c0_i32 : i32, i32
  }
  func.func @transform_11(%arg0: i32) -> (i32, i32) {
    %c0_i32 = arith.constant 0 : i32
    %c0_i32_0 = arith.constant 0 : i32
    return %arg0, %c0_i32 : i32, i32
  }
  func.func @transform_12(%arg0: i32) -> (i32, i32) {
    %c0_i32 = arith.constant 0 : i32
    %c0_i32_0 = arith.constant 0 : i32
    %c0_i32_1 = arith.constant 0 : i32
    return %c0_i32, %c0_i32_0 : i32, i32
  }
  func.func @transform_13(%arg0: i32) -> (i32, i32) {
    %c0_i32 = arith.constant 0 : i32
    %c0_i32_0 = arith.constant 0 : i32
    %c0_i32_1 = arith.constant 0 : i32
    return %c0_i32, %c0_i32_0 : i32, i32
  }
  func.func @transform_14(%arg0: i32) -> (i32, i32) {
    %c0_i32 = arith.constant 0 : i32
    %c0_i32_0 = arith.constant 0 : i32
    %c0_i32_1 = arith.constant 0 : i32
    return %c0_i32, %c0_i32_0 : i32, i32
  }
  func.func @transform_15(%arg0: i32) -> (i32, i32) {
    %c0_i32 = arith.constant 0 : i32
    %c0_i32_0 = arith.constant 0 : i32
    %c0_i32_1 = arith.constant 0 : i32
    return %c0_i32, %c0_i32_0 : i32, i32
  }
}

module attributes {stable_mosaic.version = 14 : i64} {
  func.func @_k2_body(%arg0: i32, %arg1: memref<1024x128xf32, #tpu.memory_space<vmem>>, %arg2: memref<1024x128xf32, #tpu.memory_space<vmem>>, %arg3: memref<1024x128xf32, #tpu.memory_space<vmem>>, %arg4: memref<1024x1xf32, #tpu.memory_space<vmem>>, %arg5: memref<1x1xf32, #tpu.memory_space<vmem>>, %arg6: memref<1x1xf32, #tpu.memory_space<vmem>>, %arg7: memref<1x128xf32, #tpu.memory_space<vmem>>, %arg8: memref<128x128xf32, #tpu.memory_space<vmem>>, %arg9: memref<128x8xf32, #tpu.memory_space<vmem>>, %arg10: memref<1x8xf32, #tpu.memory_space<vmem>>, %arg11: memref<1024x8xf32, #tpu.memory_space<vmem>>, %arg12: memref<1024x1xf32, #tpu.memory_space<vmem>>, %arg13: memref<1024x128xf32, #tpu.memory_space<vmem>>) attributes {dimension_semantics = [#tpu.dimension_semantics<arbitrary>], iteration_bounds = array<i64: 10>, scalar_prefetch = 0 : i64, scratch_operands = 0 : i64, tpu.core_type = #tpu.core_type<tc>, window_params = [{transform_indices = @transform_0, window_bounds = array<i64: 1024, 128>}, {transform_indices = @transform_1, window_bounds = array<i64: 1024, 128>}, {transform_indices = @transform_2, window_bounds = array<i64: 1024, 128>}, {transform_indices = @transform_3, window_bounds = array<i64: 1024, 1>}, {pipeline_mode = #tpu.pipeline_mode<synchronous>, transform_indices = @transform_4, window_bounds = array<i64: 1, 1>}, {pipeline_mode = #tpu.pipeline_mode<synchronous>, transform_indices = @transform_5, window_bounds = array<i64: 1, 1>}, {pipeline_mode = #tpu.pipeline_mode<synchronous>, transform_indices = @transform_6, window_bounds = array<i64: 1, 128>}, {pipeline_mode = #tpu.pipeline_mode<synchronous>, transform_indices = @transform_7, window_bounds = array<i64: 128, 128>}, {pipeline_mode = #tpu.pipeline_mode<synchronous>, transform_indices = @transform_8, window_bounds = array<i64: 128, 8>}, {pipeline_mode = #tpu.pipeline_mode<synchronous>, transform_indices = @transform_9, window_bounds = array<i64: 1, 8>}, {transform_indices = @transform_10, window_bounds = array<i64: 1024, 8>}, {transform_indices = @transform_11, window_bounds = array<i64: 1024, 1>}, {transform_indices = @transform_12, window_bounds = array<i64: 1024, 128>}]} {
    %get3A = arith.constant 0 : index
    %get3A_0 = arith.constant 0 : index
    %get3A_1 = vector.load %arg5[%get3A, %get3A_0] : memref<1x1xf32, #tpu.memory_space<vmem>>, vector<1x1xf32>
    %sqrt3A = math.sqrt %get3A_1 : vector<1x1xf32>
    %max3A = arith.constant 9.99999996E-13 : f32
    %max3A_2 = vector.broadcast %max3A : f32 to vector<1x1xf32>
    %max3A_3 = arith.maximumf %sqrt3A, %max3A_2 : vector<1x1xf32>
    %get3A_4 = arith.constant 0 : index
    %get3A_5 = arith.constant 0 : index
    %get3A_6 = vector.load %arg6[%get3A_4, %get3A_5] : memref<1x1xf32, #tpu.memory_space<vmem>>, vector<1x1xf32>
    %sqrt3A_7 = math.sqrt %get3A_6 : vector<1x1xf32>
    %max3A_8 = arith.constant 9.99999996E-13 : f32
    %max3A_9 = vector.broadcast %max3A_8 : f32 to vector<1x1xf32>
    %max3A_10 = arith.maximumf %sqrt3A_7, %max3A_9 : vector<1x1xf32>
    %mul3A = arith.mulf %max3A_3, %max3A_10 : vector<1x1xf32>
    %mul3A_11 = arith.constant 1.000000e+04 : f32
    %mul3A_12 = vector.broadcast %mul3A_11 : f32 to vector<1x1xf32>
    %mul3A_13 = arith.mulf %mul3A, %mul3A_12 : vector<1x1xf32>
    %div3A = arith.constant 1.000000e+00 : f32
    %div3A_14 = vector.broadcast %div3A : f32 to vector<1x1xf32>
    %div3A_15 = arith.divf %div3A_14, %mul3A_13 : vector<1x1xf32>
    %get3A_16 = arith.constant 0 : index
    %get3A_17 = arith.constant 0 : index
    %get3A_18 = vector.load %arg1[%get3A_16, %get3A_17] : memref<1024x128xf32, #tpu.memory_space<vmem>>, vector<1024x128xf32>
    %get3A_19 = arith.constant 0 : index
    %get3A_20 = arith.constant 0 : index
    %get3A_21 = vector.load %arg2[%get3A_19, %get3A_20] : memref<1024x128xf32, #tpu.memory_space<vmem>>, vector<1024x128xf32>
    %get3A_22 = arith.constant 0 : index
    %get3A_23 = arith.constant 0 : index
    %get3A_24 = vector.load %arg7[%get3A_22, %get3A_23] : memref<1x128xf32, #tpu.memory_space<vmem>>, vector<1x128xf32>
    %mul3A_25 = vector.broadcast %get3A_24 : vector<1x128xf32> to vector<1024x128xf32>
    %mul3A_26 = arith.mulf %get3A_18, %mul3A_25 : vector<1024x128xf32>
    %reduce_sum3A = arith.constant dense<0.000000e+00> : vector<1024xf32>
    %reduce_sum3A_27 = vector.multi_reduction <add>, %mul3A_26, %reduce_sum3A [1] : vector<1024x128xf32> to vector<1024xf32>
    %broadcast_in_dim3A = vector.shape_cast %reduce_sum3A_27 : vector<1024xf32> to vector<1024x1xf32>
    %mul3A_28 = vector.broadcast %div3A_15 : vector<1x1xf32> to vector<1024x1xf32>
    %mul3A_29 = arith.mulf %broadcast_in_dim3A, %mul3A_28 : vector<1024x1xf32>
    %add3A = arith.constant 1.000000e+00 : f32
    %add3A_30 = vector.broadcast %add3A : f32 to vector<1024x1xf32>
    %add3A_31 = arith.addf %add3A_30, %mul3A_29 : vector<1024x1xf32>
    %get3A_32 = arith.constant 0 : index
    %get3A_33 = arith.constant 0 : index
    %get3A_34 = vector.load %arg8[%get3A_32, %get3A_33] : memref<128x128xf32, #tpu.memory_space<vmem>>, vector<128x128xf32>
    %dot_general3A = arith.constant dense<0.000000e+00> : vector<1024x128xf32>
    %dot_general3A_35 = tpu.matmul %get3A_18, %get3A_34, %dot_general3A {dimension_numbers = #tpu.dot_dimension_numbers<[1], [0], [0], [1], [0, 0, 1, 1], [], []>, transpose_lhs_hint = false} : vector<1024x128xf32>, vector<128x128xf32>, vector<1024x128xf32> -> vector<1024x128xf32>
    %mul3A_36 = vector.broadcast %div3A_15 : vector<1x1xf32> to vector<1024x128xf32>
    %mul3A_37 = arith.mulf %dot_general3A_35, %mul3A_36 : vector<1024x128xf32>
    %add3A_38 = arith.addf %get3A_21, %mul3A_37 : vector<1024x128xf32>
    %max3A_39 = arith.constant 9.99999996E-13 : f32
    %max3A_40 = vector.broadcast %max3A_39 : f32 to vector<1024x1xf32>
    %max3A_41 = arith.maximumf %add3A_31, %max3A_40 : vector<1024x1xf32>
    %div3A_42 = vector.broadcast %max3A_41 : vector<1024x1xf32> to vector<1024x128xf32>
    %div3A_43 = arith.divf %add3A_38, %div3A_42 : vector<1024x128xf32>
    %get3A_44 = arith.constant 0 : index
    %get3A_45 = arith.constant 0 : index
    %get3A_46 = vector.load %arg9[%get3A_44, %get3A_45] : memref<128x8xf32, #tpu.memory_space<vmem>>, vector<128x8xf32>
    %dot_general3A_47 = arith.constant dense<0.000000e+00> : vector<1024x8xf32>
    %dot_general3A_48 = tpu.matmul %div3A_43, %get3A_46, %dot_general3A_47 {dimension_numbers = #tpu.dot_dimension_numbers<[1], [0], [0], [1], [0, 0, 1, 1], [], []>, transpose_lhs_hint = false} : vector<1024x128xf32>, vector<128x8xf32>, vector<1024x8xf32> -> vector<1024x8xf32>
    %get3A_49 = arith.constant 0 : index
    %get3A_50 = arith.constant 0 : index
    %get3A_51 = vector.load %arg10[%get3A_49, %get3A_50] : memref<1x8xf32, #tpu.memory_space<vmem>>, vector<1x8xf32>
    %add3A_52 = vector.broadcast %get3A_51 : vector<1x8xf32> to vector<1024x8xf32>
    %add3A_53 = arith.addf %dot_general3A_48, %add3A_52 : vector<1024x8xf32>
    %swap3A = arith.constant 0 : index
    %swap3A_54 = arith.constant 0 : index
    %swap3A_55 = vector.load %arg11[%swap3A, %swap3A_54] : memref<1024x8xf32, #tpu.memory_space<vmem>>, vector<1024x8xf32>
    tpu.vector_store %arg11[%swap3A, %swap3A_54], %add3A_53 {strides = array<i32>} : memref<1024x8xf32, #tpu.memory_space<vmem>>, vector<1024x8xf32>,
    %get3A_56 = arith.constant 0 : index
    %get3A_57 = arith.constant 0 : index
    %get3A_58 = vector.load %arg4[%get3A_56, %get3A_57] : memref<1024x1xf32, #tpu.memory_space<vmem>>, vector<1024x1xf32>
    %gt3A = arith.constant 0.000000e+00 : f32
    %gt3A_59 = vector.broadcast %gt3A : f32 to vector<1024x1xf32>
    %gt3A_60 = arith.cmpf ogt, %get3A_58, %gt3A_59 : vector<1024x1xf32>
    %max3A_61 = arith.constant 1.000000e+00 : f32
    %max3A_62 = vector.broadcast %max3A_61 : f32 to vector<1024x1xf32>
    %max3A_63 = arith.maximumf %get3A_58, %max3A_62 : vector<1024x1xf32>
    %sqrt3A_64 = math.sqrt %max3A_63 : vector<1024x1xf32>
    %div3A_65 = arith.constant 1.000000e+00 : f32
    %div3A_66 = vector.broadcast %div3A_65 : f32 to vector<1024x1xf32>
    %div3A_67 = arith.divf %div3A_66, %sqrt3A_64 : vector<1024x1xf32>
    %jit3A = arith.constant 0.000000e+00 : f32
    %broadcast_in_dim3A_68 = vector.broadcast %jit3A : f32 to vector<1024x1xf32>
    %select_n3A = arith.select %gt3A_60, %div3A_67, %broadcast_in_dim3A_68 : vector<1024x1xi1>, vector<1024x1xf32>
    %swap3A_69 = arith.constant 0 : index
    %swap3A_70 = arith.constant 0 : index
    %swap3A_71 = vector.load %arg12[%swap3A_69, %swap3A_70] : memref<1024x1xf32, #tpu.memory_space<vmem>>, vector<1024x1xf32>
    tpu.vector_store %arg12[%swap3A_69, %swap3A_70], %select_n3A {strides = array<i32>} : memref<1024x1xf32, #tpu.memory_space<vmem>>, vector<1024x1xf32>,
    %get3A_72 = arith.constant 0 : index
    %get3A_73 = arith.constant 0 : index
    %get3A_74 = vector.load %arg3[%get3A_72, %get3A_73] : memref<1024x128xf32, #tpu.memory_space<vmem>>, vector<1024x128xf32>
    %mul3A_75 = vector.broadcast %select_n3A : vector<1024x1xf32> to vector<1024x128xf32>
    %mul3A_76 = arith.mulf %mul3A_75, %get3A_74 : vector<1024x128xf32>
    %swap3A_77 = arith.constant 0 : index
    %swap3A_78 = arith.constant 0 : index
    %swap3A_79 = vector.load %arg13[%swap3A_77, %swap3A_78] : memref<1024x128xf32, #tpu.memory_space<vmem>>, vector<1024x128xf32>
    tpu.vector_store %arg13[%swap3A_77, %swap3A_78], %mul3A_76 {strides = array<i32>} : memref<1024x128xf32, #tpu.memory_space<vmem>>, vector<1024x128xf32>,
    return
  }
  func.func @transform_0(%arg0: i32) -> (i32, i32) {
    %c0_i32 = arith.constant 0 : i32
    %c0_i32_0 = arith.constant 0 : i32
    return %arg0, %c0_i32 : i32, i32
  }
  func.func @transform_1(%arg0: i32) -> (i32, i32) {
    %c0_i32 = arith.constant 0 : i32
    %c0_i32_0 = arith.constant 0 : i32
    return %arg0, %c0_i32 : i32, i32
  }
  func.func @transform_2(%arg0: i32) -> (i32, i32) {
    %c0_i32 = arith.constant 0 : i32
    %c0_i32_0 = arith.constant 0 : i32
    return %arg0, %c0_i32 : i32, i32
  }
  func.func @transform_3(%arg0: i32) -> (i32, i32) {
    %c0_i32 = arith.constant 0 : i32
    %c0_i32_0 = arith.constant 0 : i32
    return %arg0, %c0_i32 : i32, i32
  }
  func.func @transform_4(%arg0: i32) -> (i32, i32) {
    %c0_i32 = arith.constant 0 : i32
    %c0_i32_0 = arith.constant 0 : i32
    %c0_i32_1 = arith.constant 0 : i32
    return %c0_i32, %c0_i32_0 : i32, i32
  }
  func.func @transform_5(%arg0: i32) -> (i32, i32) {
    %c0_i32 = arith.constant 0 : i32
    %c0_i32_0 = arith.constant 0 : i32
    %c0_i32_1 = arith.constant 0 : i32
    return %c0_i32, %c0_i32_0 : i32, i32
  }
  func.func @transform_6(%arg0: i32) -> (i32, i32) {
    %c0_i32 = arith.constant 0 : i32
    %c0_i32_0 = arith.constant 0 : i32
    %c0_i32_1 = arith.constant 0 : i32
    return %c0_i32, %c0_i32_0 : i32, i32
  }
  func.func @transform_7(%arg0: i32) -> (i32, i32) {
    %c0_i32 = arith.constant 0 : i32
    %c0_i32_0 = arith.constant 0 : i32
    %c0_i32_1 = arith.constant 0 : i32
    return %c0_i32, %c0_i32_0 : i32, i32
  }
  func.func @transform_8(%arg0: i32) -> (i32, i32) {
    %c0_i32 = arith.constant 0 : i32
    %c0_i32_0 = arith.constant 0 : i32
    %c0_i32_1 = arith.constant 0 : i32
    return %c0_i32, %c0_i32_0 : i32, i32
  }
  func.func @transform_9(%arg0: i32) -> (i32, i32) {
    %c0_i32 = arith.constant 0 : i32
    %c0_i32_0 = arith.constant 0 : i32
    %c0_i32_1 = arith.constant 0 : i32
    return %c0_i32, %c0_i32_0 : i32, i32
  }
  func.func @transform_10(%arg0: i32) -> (i32, i32) {
    %c0_i32 = arith.constant 0 : i32
    %c0_i32_0 = arith.constant 0 : i32
    return %arg0, %c0_i32 : i32, i32
  }
  func.func @transform_11(%arg0: i32) -> (i32, i32) {
    %c0_i32 = arith.constant 0 : i32
    %c0_i32_0 = arith.constant 0 : i32
    return %arg0, %c0_i32 : i32, i32
  }
  func.func @transform_12(%arg0: i32) -> (i32, i32) {
    %c0_i32 = arith.constant 0 : i32
    %c0_i32_0 = arith.constant 0 : i32
    return %arg0, %c0_i32 : i32, i32
  }
}

module attributes {stable_mosaic.version = 14 : i64} {
  func.func @_k3_mid_body(%arg0: i32, %arg1: memref<512x128xf32, #tpu.memory_space<vmem>>, %arg2: memref<2x512x128xf32, #tpu.memory_space<vmem>>, %arg3: memref<512x1xf32, #tpu.memory_space<vmem>>, %arg4: memref<512x8xf32, #tpu.memory_space<vmem>>, %arg5: memref<128x8xf32, #tpu.memory_space<vmem>>, %arg6: memref<1x8xf32, #tpu.memory_space<vmem>>, %arg7: memref<128x1024xf32, #tpu.memory_space<vmem>>, %arg8: memref<128x1024xf32, #tpu.memory_space<vmem>>, %arg9: memref<512x128xf32, #tpu.memory_space<vmem>>, %arg10: memref<512x128xf32, #tpu.memory_space<vmem>>) attributes {dimension_semantics = [#tpu.dimension_semantics<arbitrary>], iteration_bounds = array<i64: 20>, scalar_prefetch = 0 : i64, scratch_operands = 0 : i64, tpu.core_type = #tpu.core_type<tc>, window_params = [{transform_indices = @transform_0, window_bounds = array<i64: 512, 128>}, {transform_indices = @transform_1, window_bounds = array<i64: 2, 512, 128>}, {transform_indices = @transform_2, window_bounds = array<i64: 512, 1>}, {transform_indices = @transform_3, window_bounds = array<i64: 512, 8>}, {pipeline_mode = #tpu.pipeline_mode<synchronous>, transform_indices = @transform_4, window_bounds = array<i64: 128, 8>}, {pipeline_mode = #tpu.pipeline_mode<synchronous>, transform_indices = @transform_5, window_bounds = array<i64: 1, 8>}, {pipeline_mode = #tpu.pipeline_mode<synchronous>, transform_indices = @transform_6, window_bounds = array<i64: 128, 1024>}, {pipeline_mode = #tpu.pipeline_mode<synchronous>, transform_indices = @transform_7, window_bounds = array<i64: 128, 1024>}, {transform_indices = @transform_8, window_bounds = array<i64: 512, 128>}, {transform_indices = @transform_9, window_bounds = array<i64: 512, 128>}]} {
    %get3A = arith.constant 0 : index
    %get3A_0 = arith.constant 0 : index
    %get3A_1 = vector.load %arg1[%get3A, %get3A_0] : memref<512x128xf32, #tpu.memory_space<vmem>>, vector<512x128xf32>
    %get3A_2 = arith.constant 0 : index
    %get3A_3 = arith.constant 0 : index
    %get3A_4 = vector.load %arg3[%get3A_2, %get3A_3] : memref<512x1xf32, #tpu.memory_space<vmem>>, vector<512x1xf32>
    %get3A_5 = arith.constant 0 : index
    %get3A_6 = arith.constant 0 : index
    %get3A_7 = arith.constant 0 : index
    %get3A_8 = vector.load %arg2[%get3A_5, %get3A_6, %get3A_7] : memref<2x512x128xf32, #tpu.memory_space<vmem>>, vector<2x512x128xf32>
    %slice3A = vector.extract_strided_slice %get3A_8 {offsets = [0, 0, 0], sizes = [1, 512, 128], strides = [1, 1, 1]} : vector<2x512x128xf32> to vector<1x512x128xf32>
    %squeeze3A = vector.shape_cast %slice3A : vector<1x512x128xf32> to vector<512x128xf32>
    %slice3A_9 = vector.extract_strided_slice %get3A_8 {offsets = [1, 0, 0], sizes = [1, 512, 128], strides = [1, 1, 1]} : vector<2x512x128xf32> to vector<1x512x128xf32>
    %squeeze3A_10 = vector.shape_cast %slice3A_9 : vector<1x512x128xf32> to vector<512x128xf32>
    %add3A = arith.addf %squeeze3A, %squeeze3A_10 : vector<512x128xf32>
    %mul3A = vector.broadcast %get3A_4 : vector<512x1xf32> to vector<512x128xf32>
    %mul3A_11 = arith.mulf %mul3A, %add3A : vector<512x128xf32>
    %get3A_12 = arith.constant 0 : index
    %get3A_13 = arith.constant 0 : index
    %get3A_14 = vector.load %arg5[%get3A_12, %get3A_13] : memref<128x8xf32, #tpu.memory_space<vmem>>, vector<128x8xf32>
    %dot_general3A = arith.constant dense<0.000000e+00> : vector<512x8xf32>
    %dot_general3A_15 = tpu.matmul %get3A_1, %get3A_14, %dot_general3A {dimension_numbers = #tpu.dot_dimension_numbers<[1], [0], [0], [1], [0, 0, 1, 1], [], []>, transpose_lhs_hint = false} : vector<512x128xf32>, vector<128x8xf32>, vector<512x8xf32> -> vector<512x8xf32>
    %get3A_16 = arith.constant 0 : index
    %get3A_17 = arith.constant 0 : index
    %get3A_18 = vector.load %arg6[%get3A_16, %get3A_17] : memref<1x8xf32, #tpu.memory_space<vmem>>, vector<1x8xf32>
    %add3A_19 = vector.broadcast %get3A_18 : vector<1x8xf32> to vector<512x8xf32>
    %add3A_20 = arith.addf %dot_general3A_15, %add3A_19 : vector<512x8xf32>
    %get3A_21 = arith.constant 0 : index
    %get3A_22 = arith.constant 0 : index
    %get3A_23 = vector.load %arg4[%get3A_21, %get3A_22] : memref<512x8xf32, #tpu.memory_space<vmem>>, vector<512x8xf32>
    %add3A_24 = arith.addf %add3A_20, %get3A_23 : vector<512x8xf32>
    %reduce_max3A = arith.constant dense<0xFF800000> : vector<512xf32>
    %reduce_max3A_25 = vector.multi_reduction <maximumf>, %add3A_24, %reduce_max3A [1] : vector<512x8xf32> to vector<512xf32>
    %broadcast_in_dim3A = vector.shape_cast %reduce_max3A_25 : vector<512xf32> to vector<512x1xf32>
    %sub3A = vector.broadcast %broadcast_in_dim3A : vector<512x1xf32> to vector<512x8xf32>
    %sub3A_26 = arith.subf %add3A_24, %sub3A : vector<512x8xf32>
    %exp3A = math.exp %sub3A_26 : vector<512x8xf32>
    %reduce_sum3A = arith.constant dense<0.000000e+00> : vector<512xf32>
    %reduce_sum3A_27 = vector.multi_reduction <add>, %exp3A, %reduce_sum3A [1] : vector<512x8xf32> to vector<512xf32>
    %broadcast_in_dim3A_28 = vector.shape_cast %reduce_sum3A_27 : vector<512xf32> to vector<512x1xf32>
    %div3A = vector.broadcast %broadcast_in_dim3A_28 : vector<512x1xf32> to vector<512x8xf32>
    %div3A_29 = arith.divf %exp3A, %div3A : vector<512x8xf32>
    %get3A_30 = arith.constant 0 : index
    %get3A_31 = arith.constant 0 : index
    %get3A_32 = vector.load %arg7[%get3A_30, %get3A_31] : memref<128x1024xf32, #tpu.memory_space<vmem>>, vector<128x1024xf32>
    %dot_general3A_33 = arith.constant dense<0.000000e+00> : vector<512x1024xf32>
    %dot_general3A_34 = tpu.matmul %mul3A_11, %get3A_32, %dot_general3A_33 {dimension_numbers = #tpu.dot_dimension_numbers<[1], [0], [0], [1], [0, 0, 1, 1], [], []>, transpose_lhs_hint = false} : vector<512x128xf32>, vector<128x1024xf32>, vector<512x1024xf32> -> vector<512x1024xf32>
    %get3A_35 = arith.constant 0 : index
    %get3A_36 = arith.constant 0 : index
    %get3A_37 = vector.load %arg8[%get3A_35, %get3A_36] : memref<128x1024xf32, #tpu.memory_space<vmem>>, vector<128x1024xf32>
    %dot_general3A_38 = arith.constant dense<0.000000e+00> : vector<512x1024xf32>
    %dot_general3A_39 = tpu.matmul %get3A_1, %get3A_37, %dot_general3A_38 {dimension_numbers = #tpu.dot_dimension_numbers<[1], [0], [0], [1], [0, 0, 1, 1], [], []>, transpose_lhs_hint = false} : vector<512x128xf32>, vector<128x1024xf32>, vector<512x1024xf32> -> vector<512x1024xf32>
    %add3A_40 = arith.addf %dot_general3A_34, %dot_general3A_39 : vector<512x1024xf32>
    %slice3A_41 = vector.extract_strided_slice %div3A_29 {offsets = [0, 0], sizes = [512, 1], strides = [1, 1]} : vector<512x8xf32> to vector<512x1xf32>
    %slice3A_42 = vector.extract_strided_slice %add3A_40 {offsets = [0, 0], sizes = [512, 128], strides = [1, 1]} : vector<512x1024xf32> to vector<512x128xf32>
    %mul3A_43 = vector.broadcast %slice3A_41 : vector<512x1xf32> to vector<512x128xf32>
    %mul3A_44 = arith.mulf %mul3A_43, %slice3A_42 : vector<512x128xf32>
    %add3A_45 = arith.addf %get3A_1, %mul3A_44 : vector<512x128xf32>
    %slice3A_46 = vector.extract_strided_slice %div3A_29 {offsets = [0, 1], sizes = [512, 1], strides = [1, 1]} : vector<512x8xf32> to vector<512x1xf32>
    %slice3A_47 = vector.extract_strided_slice %add3A_40 {offsets = [0, 128], sizes = [512, 128], strides = [1, 1]} : vector<512x1024xf32> to vector<512x128xf32>
    %mul3A_48 = vector.broadcast %slice3A_46 : vector<512x1xf32> to vector<512x128xf32>
    %mul3A_49 = arith.mulf %mul3A_48, %slice3A_47 : vector<512x128xf32>
    %add3A_50 = arith.addf %add3A_45, %mul3A_49 : vector<512x128xf32>
    %slice3A_51 = vector.extract_strided_slice %div3A_29 {offsets = [0, 2], sizes = [512, 1], strides = [1, 1]} : vector<512x8xf32> to vector<512x1xf32>
    %slice3A_52 = vector.extract_strided_slice %add3A_40 {offsets = [0, 256], sizes = [512, 128], strides = [1, 1]} : vector<512x1024xf32> to vector<512x128xf32>
    %mul3A_53 = vector.broadcast %slice3A_51 : vector<512x1xf32> to vector<512x128xf32>
    %mul3A_54 = arith.mulf %mul3A_53, %slice3A_52 : vector<512x128xf32>
    %add3A_55 = arith.addf %add3A_50, %mul3A_54 : vector<512x128xf32>
    %slice3A_56 = vector.extract_strided_slice %div3A_29 {offsets = [0, 3], sizes = [512, 1], strides = [1, 1]} : vector<512x8xf32> to vector<512x1xf32>
    %slice3A_57 = vector.extract_strided_slice %add3A_40 {offsets = [0, 384], sizes = [512, 128], strides = [1, 1]} : vector<512x1024xf32> to vector<512x128xf32>
    %mul3A_58 = vector.broadcast %slice3A_56 : vector<512x1xf32> to vector<512x128xf32>
    %mul3A_59 = arith.mulf %mul3A_58, %slice3A_57 : vector<512x128xf32>
    %add3A_60 = arith.addf %add3A_55, %mul3A_59 : vector<512x128xf32>
    %slice3A_61 = vector.extract_strided_slice %div3A_29 {offsets = [0, 4], sizes = [512, 1], strides = [1, 1]} : vector<512x8xf32> to vector<512x1xf32>
    %slice3A_62 = vector.extract_strided_slice %add3A_40 {offsets = [0, 512], sizes = [512, 128], strides = [1, 1]} : vector<512x1024xf32> to vector<512x128xf32>
    %mul3A_63 = vector.broadcast %slice3A_61 : vector<512x1xf32> to vector<512x128xf32>
    %mul3A_64 = arith.mulf %mul3A_63, %slice3A_62 : vector<512x128xf32>
    %add3A_65 = arith.addf %add3A_60, %mul3A_64 : vector<512x128xf32>
    %slice3A_66 = vector.extract_strided_slice %div3A_29 {offsets = [0, 5], sizes = [512, 1], strides = [1, 1]} : vector<512x8xf32> to vector<512x1xf32>
    %slice3A_67 = vector.extract_strided_slice %add3A_40 {offsets = [0, 640], sizes = [512, 128], strides = [1, 1]} : vector<512x1024xf32> to vector<512x128xf32>
    %mul3A_68 = vector.broadcast %slice3A_66 : vector<512x1xf32> to vector<512x128xf32>
    %mul3A_69 = arith.mulf %mul3A_68, %slice3A_67 : vector<512x128xf32>
    %add3A_70 = arith.addf %add3A_65, %mul3A_69 : vector<512x128xf32>
    %slice3A_71 = vector.extract_strided_slice %div3A_29 {offsets = [0, 6], sizes = [512, 1], strides = [1, 1]} : vector<512x8xf32> to vector<512x1xf32>
    %slice3A_72 = vector.extract_strided_slice %add3A_40 {offsets = [0, 768], sizes = [512, 128], strides = [1, 1]} : vector<512x1024xf32> to vector<512x128xf32>
    %mul3A_73 = vector.broadcast %slice3A_71 : vector<512x1xf32> to vector<512x128xf32>
    %mul3A_74 = arith.mulf %mul3A_73, %slice3A_72 : vector<512x128xf32>
    %add3A_75 = arith.addf %add3A_70, %mul3A_74 : vector<512x128xf32>
    %slice3A_76 = vector.extract_strided_slice %div3A_29 {offsets = [0, 7], sizes = [512, 1], strides = [1, 1]} : vector<512x8xf32> to vector<512x1xf32>
    %slice3A_77 = vector.extract_strided_slice %add3A_40 {offsets = [0, 896], sizes = [512, 128], strides = [1, 1]} : vector<512x1024xf32> to vector<512x128xf32>
    %mul3A_78 = vector.broadcast %slice3A_76 : vector<512x1xf32> to vector<512x128xf32>
    %mul3A_79 = arith.mulf %mul3A_78, %slice3A_77 : vector<512x128xf32>
    %add3A_80 = arith.addf %add3A_75, %mul3A_79 : vector<512x128xf32>
    %max3A = arith.constant 0.000000e+00 : f32
    %max3A_81 = vector.broadcast %max3A : f32 to vector<512x128xf32>
    %max3A_82 = arith.maximumf %add3A_80, %max3A_81 : vector<512x128xf32>
    %swap3A = arith.constant 0 : index
    %swap3A_83 = arith.constant 0 : index
    %swap3A_84 = vector.load %arg9[%swap3A, %swap3A_83] : memref<512x128xf32, #tpu.memory_space<vmem>>, vector<512x128xf32>
    tpu.vector_store %arg9[%swap3A, %swap3A_83], %max3A_82 {strides = array<i32>} : memref<512x128xf32, #tpu.memory_space<vmem>>, vector<512x128xf32>,
    %mul3A_85 = vector.broadcast %get3A_4 : vector<512x1xf32> to vector<512x128xf32>
    %mul3A_86 = arith.mulf %mul3A_85, %max3A_82 : vector<512x128xf32>
    %swap3A_87 = arith.constant 0 : index
    %swap3A_88 = arith.constant 0 : index
    %swap3A_89 = vector.load %arg10[%swap3A_87, %swap3A_88] : memref<512x128xf32, #tpu.memory_space<vmem>>, vector<512x128xf32>
    tpu.vector_store %arg10[%swap3A_87, %swap3A_88], %mul3A_86 {strides = array<i32>} : memref<512x128xf32, #tpu.memory_space<vmem>>, vector<512x128xf32>,
    return
  }
  func.func @transform_0(%arg0: i32) -> (i32, i32) {
    %c0_i32 = arith.constant 0 : i32
    %c0_i32_0 = arith.constant 0 : i32
    return %arg0, %c0_i32 : i32, i32
  }
  func.func @transform_1(%arg0: i32) -> (i32, i32, i32) {
    %c0_i32 = arith.constant 0 : i32
    %c0_i32_0 = arith.constant 0 : i32
    %c0_i32_1 = arith.constant 0 : i32
    return %c0_i32, %arg0, %c0_i32_0 : i32, i32, i32
  }
  func.func @transform_2(%arg0: i32) -> (i32, i32) {
    %c0_i32 = arith.constant 0 : i32
    %c0_i32_0 = arith.constant 0 : i32
    return %arg0, %c0_i32 : i32, i32
  }
  func.func @transform_3(%arg0: i32) -> (i32, i32) {
    %c0_i32 = arith.constant 0 : i32
    %c0_i32_0 = arith.constant 0 : i32
    return %arg0, %c0_i32 : i32, i32
  }
  func.func @transform_4(%arg0: i32) -> (i32, i32) {
    %c0_i32 = arith.constant 0 : i32
    %c0_i32_0 = arith.constant 0 : i32
    %c0_i32_1 = arith.constant 0 : i32
    return %c0_i32, %c0_i32_0 : i32, i32
  }
  func.func @transform_5(%arg0: i32) -> (i32, i32) {
    %c0_i32 = arith.constant 0 : i32
    %c0_i32_0 = arith.constant 0 : i32
    %c0_i32_1 = arith.constant 0 : i32
    return %c0_i32, %c0_i32_0 : i32, i32
  }
  func.func @transform_6(%arg0: i32) -> (i32, i32) {
    %c0_i32 = arith.constant 0 : i32
    %c0_i32_0 = arith.constant 0 : i32
    %c0_i32_1 = arith.constant 0 : i32
    return %c0_i32, %c0_i32_0 : i32, i32
  }
  func.func @transform_7(%arg0: i32) -> (i32, i32) {
    %c0_i32 = arith.constant 0 : i32
    %c0_i32_0 = arith.constant 0 : i32
    %c0_i32_1 = arith.constant 0 : i32
    return %c0_i32, %c0_i32_0 : i32, i32
  }
  func.func @transform_8(%arg0: i32) -> (i32, i32) {
    %c0_i32 = arith.constant 0 : i32
    %c0_i32_0 = arith.constant 0 : i32
    return %arg0, %c0_i32 : i32, i32
  }
  func.func @transform_9(%arg0: i32) -> (i32, i32) {
    %c0_i32 = arith.constant 0 : i32
    %c0_i32_0 = arith.constant 0 : i32
    return %arg0, %c0_i32 : i32, i32
  }
}

module attributes {stable_mosaic.version = 14 : i64} {
  func.func @_k3_last_body(%arg0: i32, %arg1: memref<512x128xf32, #tpu.memory_space<vmem>>, %arg2: memref<2x512x128xf32, #tpu.memory_space<vmem>>, %arg3: memref<512x1xf32, #tpu.memory_space<vmem>>, %arg4: memref<512x8xf32, #tpu.memory_space<vmem>>, %arg5: memref<128x8xf32, #tpu.memory_space<vmem>>, %arg6: memref<1x8xf32, #tpu.memory_space<vmem>>, %arg7: memref<128x1024xf32, #tpu.memory_space<vmem>>, %arg8: memref<128x1024xf32, #tpu.memory_space<vmem>>, %arg9: memref<128x64xf32, #tpu.memory_space<vmem>>, %arg10: memref<1x64xf32, #tpu.memory_space<vmem>>, %arg11: memref<512x64xf32, #tpu.memory_space<vmem>>) attributes {dimension_semantics = [#tpu.dimension_semantics<arbitrary>], iteration_bounds = array<i64: 20>, scalar_prefetch = 0 : i64, scratch_operands = 0 : i64, tpu.core_type = #tpu.core_type<tc>, window_params = [{transform_indices = @transform_0, window_bounds = array<i64: 512, 128>}, {transform_indices = @transform_1, window_bounds = array<i64: 2, 512, 128>}, {transform_indices = @transform_2, window_bounds = array<i64: 512, 1>}, {transform_indices = @transform_3, window_bounds = array<i64: 512, 8>}, {pipeline_mode = #tpu.pipeline_mode<synchronous>, transform_indices = @transform_4, window_bounds = array<i64: 128, 8>}, {pipeline_mode = #tpu.pipeline_mode<synchronous>, transform_indices = @transform_5, window_bounds = array<i64: 1, 8>}, {pipeline_mode = #tpu.pipeline_mode<synchronous>, transform_indices = @transform_6, window_bounds = array<i64: 128, 1024>}, {pipeline_mode = #tpu.pipeline_mode<synchronous>, transform_indices = @transform_7, window_bounds = array<i64: 128, 1024>}, {pipeline_mode = #tpu.pipeline_mode<synchronous>, transform_indices = @transform_8, window_bounds = array<i64: 128, 64>}, {pipeline_mode = #tpu.pipeline_mode<synchronous>, transform_indices = @transform_9, window_bounds = array<i64: 1, 64>}, {transform_indices = @transform_10, window_bounds = array<i64: 512, 64>}]} {
    %get3A = arith.constant 0 : index
    %get3A_0 = arith.constant 0 : index
    %get3A_1 = vector.load %arg1[%get3A, %get3A_0] : memref<512x128xf32, #tpu.memory_space<vmem>>, vector<512x128xf32>
    %get3A_2 = arith.constant 0 : index
    %get3A_3 = arith.constant 0 : index
    %get3A_4 = vector.load %arg3[%get3A_2, %get3A_3] : memref<512x1xf32, #tpu.memory_space<vmem>>, vector<512x1xf32>
    %get3A_5 = arith.constant 0 : index
    %get3A_6 = arith.constant 0 : index
    %get3A_7 = arith.constant 0 : index
    %get3A_8 = vector.load %arg2[%get3A_5, %get3A_6, %get3A_7] : memref<2x512x128xf32, #tpu.memory_space<vmem>>, vector<2x512x128xf32>
    %slice3A = vector.extract_strided_slice %get3A_8 {offsets = [0, 0, 0], sizes = [1, 512, 128], strides = [1, 1, 1]} : vector<2x512x128xf32> to vector<1x512x128xf32>
    %squeeze3A = vector.shape_cast %slice3A : vector<1x512x128xf32> to vector<512x128xf32>
    %slice3A_9 = vector.extract_strided_slice %get3A_8 {offsets = [1, 0, 0], sizes = [1, 512, 128], strides = [1, 1, 1]} : vector<2x512x128xf32> to vector<1x512x128xf32>
    %squeeze3A_10 = vector.shape_cast %slice3A_9 : vector<1x512x128xf32> to vector<512x128xf32>
    %add3A = arith.addf %squeeze3A, %squeeze3A_10 : vector<512x128xf32>
    %mul3A = vector.broadcast %get3A_4 : vector<512x1xf32> to vector<512x128xf32>
    %mul3A_11 = arith.mulf %mul3A, %add3A : vector<512x128xf32>
    %get3A_12 = arith.constant 0 : index
    %get3A_13 = arith.constant 0 : index
    %get3A_14 = vector.load %arg5[%get3A_12, %get3A_13] : memref<128x8xf32, #tpu.memory_space<vmem>>, vector<128x8xf32>
    %dot_general3A = arith.constant dense<0.000000e+00> : vector<512x8xf32>
    %dot_general3A_15 = tpu.matmul %get3A_1, %get3A_14, %dot_general3A {dimension_numbers = #tpu.dot_dimension_numbers<[1], [0], [0], [1], [0, 0, 1, 1], [], []>, transpose_lhs_hint = false} : vector<512x128xf32>, vector<128x8xf32>, vector<512x8xf32> -> vector<512x8xf32>
    %get3A_16 = arith.constant 0 : index
    %get3A_17 = arith.constant 0 : index
    %get3A_18 = vector.load %arg6[%get3A_16, %get3A_17] : memref<1x8xf32, #tpu.memory_space<vmem>>, vector<1x8xf32>
    %add3A_19 = vector.broadcast %get3A_18 : vector<1x8xf32> to vector<512x8xf32>
    %add3A_20 = arith.addf %dot_general3A_15, %add3A_19 : vector<512x8xf32>
    %get3A_21 = arith.constant 0 : index
    %get3A_22 = arith.constant 0 : index
    %get3A_23 = vector.load %arg4[%get3A_21, %get3A_22] : memref<512x8xf32, #tpu.memory_space<vmem>>, vector<512x8xf32>
    %add3A_24 = arith.addf %add3A_20, %get3A_23 : vector<512x8xf32>
    %reduce_max3A = arith.constant dense<0xFF800000> : vector<512xf32>
    %reduce_max3A_25 = vector.multi_reduction <maximumf>, %add3A_24, %reduce_max3A [1] : vector<512x8xf32> to vector<512xf32>
    %broadcast_in_dim3A = vector.shape_cast %reduce_max3A_25 : vector<512xf32> to vector<512x1xf32>
    %sub3A = vector.broadcast %broadcast_in_dim3A : vector<512x1xf32> to vector<512x8xf32>
    %sub3A_26 = arith.subf %add3A_24, %sub3A : vector<512x8xf32>
    %exp3A = math.exp %sub3A_26 : vector<512x8xf32>
    %reduce_sum3A = arith.constant dense<0.000000e+00> : vector<512xf32>
    %reduce_sum3A_27 = vector.multi_reduction <add>, %exp3A, %reduce_sum3A [1] : vector<512x8xf32> to vector<512xf32>
    %broadcast_in_dim3A_28 = vector.shape_cast %reduce_sum3A_27 : vector<512xf32> to vector<512x1xf32>
    %div3A = vector.broadcast %broadcast_in_dim3A_28 : vector<512x1xf32> to vector<512x8xf32>
    %div3A_29 = arith.divf %exp3A, %div3A : vector<512x8xf32>
    %get3A_30 = arith.constant 0 : index
    %get3A_31 = arith.constant 0 : index
    %get3A_32 = vector.load %arg7[%get3A_30, %get3A_31] : memref<128x1024xf32, #tpu.memory_space<vmem>>, vector<128x1024xf32>
    %dot_general3A_33 = arith.constant dense<0.000000e+00> : vector<512x1024xf32>
    %dot_general3A_34 = tpu.matmul %mul3A_11, %get3A_32, %dot_general3A_33 {dimension_numbers = #tpu.dot_dimension_numbers<[1], [0], [0], [1], [0, 0, 1, 1], [], []>, transpose_lhs_hint = false} : vector<512x128xf32>, vector<128x1024xf32>, vector<512x1024xf32> -> vector<512x1024xf32>
    %get3A_35 = arith.constant 0 : index
    %get3A_36 = arith.constant 0 : index
    %get3A_37 = vector.load %arg8[%get3A_35, %get3A_36] : memref<128x1024xf32, #tpu.memory_space<vmem>>, vector<128x1024xf32>
    %dot_general3A_38 = arith.constant dense<0.000000e+00> : vector<512x1024xf32>
    %dot_general3A_39 = tpu.matmul %get3A_1, %get3A_37, %dot_general3A_38 {dimension_numbers = #tpu.dot_dimension_numbers<[1], [0], [0], [1], [0, 0, 1, 1], [], []>, transpose_lhs_hint = false} : vector<512x128xf32>, vector<128x1024xf32>, vector<512x1024xf32> -> vector<512x1024xf32>
    %add3A_40 = arith.addf %dot_general3A_34, %dot_general3A_39 : vector<512x1024xf32>
    %slice3A_41 = vector.extract_strided_slice %div3A_29 {offsets = [0, 0], sizes = [512, 1], strides = [1, 1]} : vector<512x8xf32> to vector<512x1xf32>
    %slice3A_42 = vector.extract_strided_slice %add3A_40 {offsets = [0, 0], sizes = [512, 128], strides = [1, 1]} : vector<512x1024xf32> to vector<512x128xf32>
    %mul3A_43 = vector.broadcast %slice3A_41 : vector<512x1xf32> to vector<512x128xf32>
    %mul3A_44 = arith.mulf %mul3A_43, %slice3A_42 : vector<512x128xf32>
    %add3A_45 = arith.addf %get3A_1, %mul3A_44 : vector<512x128xf32>
    %slice3A_46 = vector.extract_strided_slice %div3A_29 {offsets = [0, 1], sizes = [512, 1], strides = [1, 1]} : vector<512x8xf32> to vector<512x1xf32>
    %slice3A_47 = vector.extract_strided_slice %add3A_40 {offsets = [0, 128], sizes = [512, 128], strides = [1, 1]} : vector<512x1024xf32> to vector<512x128xf32>
    %mul3A_48 = vector.broadcast %slice3A_46 : vector<512x1xf32> to vector<512x128xf32>
    %mul3A_49 = arith.mulf %mul3A_48, %slice3A_47 : vector<512x128xf32>
    %add3A_50 = arith.addf %add3A_45, %mul3A_49 : vector<512x128xf32>
    %slice3A_51 = vector.extract_strided_slice %div3A_29 {offsets = [0, 2], sizes = [512, 1], strides = [1, 1]} : vector<512x8xf32> to vector<512x1xf32>
    %slice3A_52 = vector.extract_strided_slice %add3A_40 {offsets = [0, 256], sizes = [512, 128], strides = [1, 1]} : vector<512x1024xf32> to vector<512x128xf32>
    %mul3A_53 = vector.broadcast %slice3A_51 : vector<512x1xf32> to vector<512x128xf32>
    %mul3A_54 = arith.mulf %mul3A_53, %slice3A_52 : vector<512x128xf32>
    %add3A_55 = arith.addf %add3A_50, %mul3A_54 : vector<512x128xf32>
    %slice3A_56 = vector.extract_strided_slice %div3A_29 {offsets = [0, 3], sizes = [512, 1], strides = [1, 1]} : vector<512x8xf32> to vector<512x1xf32>
    %slice3A_57 = vector.extract_strided_slice %add3A_40 {offsets = [0, 384], sizes = [512, 128], strides = [1, 1]} : vector<512x1024xf32> to vector<512x128xf32>
    %mul3A_58 = vector.broadcast %slice3A_56 : vector<512x1xf32> to vector<512x128xf32>
    %mul3A_59 = arith.mulf %mul3A_58, %slice3A_57 : vector<512x128xf32>
    %add3A_60 = arith.addf %add3A_55, %mul3A_59 : vector<512x128xf32>
    %slice3A_61 = vector.extract_strided_slice %div3A_29 {offsets = [0, 4], sizes = [512, 1], strides = [1, 1]} : vector<512x8xf32> to vector<512x1xf32>
    %slice3A_62 = vector.extract_strided_slice %add3A_40 {offsets = [0, 512], sizes = [512, 128], strides = [1, 1]} : vector<512x1024xf32> to vector<512x128xf32>
    %mul3A_63 = vector.broadcast %slice3A_61 : vector<512x1xf32> to vector<512x128xf32>
    %mul3A_64 = arith.mulf %mul3A_63, %slice3A_62 : vector<512x128xf32>
    %add3A_65 = arith.addf %add3A_60, %mul3A_64 : vector<512x128xf32>
    %slice3A_66 = vector.extract_strided_slice %div3A_29 {offsets = [0, 5], sizes = [512, 1], strides = [1, 1]} : vector<512x8xf32> to vector<512x1xf32>
    %slice3A_67 = vector.extract_strided_slice %add3A_40 {offsets = [0, 640], sizes = [512, 128], strides = [1, 1]} : vector<512x1024xf32> to vector<512x128xf32>
    %mul3A_68 = vector.broadcast %slice3A_66 : vector<512x1xf32> to vector<512x128xf32>
    %mul3A_69 = arith.mulf %mul3A_68, %slice3A_67 : vector<512x128xf32>
    %add3A_70 = arith.addf %add3A_65, %mul3A_69 : vector<512x128xf32>
    %slice3A_71 = vector.extract_strided_slice %div3A_29 {offsets = [0, 6], sizes = [512, 1], strides = [1, 1]} : vector<512x8xf32> to vector<512x1xf32>
    %slice3A_72 = vector.extract_strided_slice %add3A_40 {offsets = [0, 768], sizes = [512, 128], strides = [1, 1]} : vector<512x1024xf32> to vector<512x128xf32>
    %mul3A_73 = vector.broadcast %slice3A_71 : vector<512x1xf32> to vector<512x128xf32>
    %mul3A_74 = arith.mulf %mul3A_73, %slice3A_72 : vector<512x128xf32>
    %add3A_75 = arith.addf %add3A_70, %mul3A_74 : vector<512x128xf32>
    %slice3A_76 = vector.extract_strided_slice %div3A_29 {offsets = [0, 7], sizes = [512, 1], strides = [1, 1]} : vector<512x8xf32> to vector<512x1xf32>
    %slice3A_77 = vector.extract_strided_slice %add3A_40 {offsets = [0, 896], sizes = [512, 128], strides = [1, 1]} : vector<512x1024xf32> to vector<512x128xf32>
    %mul3A_78 = vector.broadcast %slice3A_76 : vector<512x1xf32> to vector<512x128xf32>
    %mul3A_79 = arith.mulf %mul3A_78, %slice3A_77 : vector<512x128xf32>
    %add3A_80 = arith.addf %add3A_75, %mul3A_79 : vector<512x128xf32>
    %max3A = arith.constant 0.000000e+00 : f32
    %max3A_81 = vector.broadcast %max3A : f32 to vector<512x128xf32>
    %max3A_82 = arith.maximumf %add3A_80, %max3A_81 : vector<512x128xf32>
    %get3A_83 = arith.constant 0 : index
    %get3A_84 = arith.constant 0 : index
    %get3A_85 = vector.load %arg9[%get3A_83, %get3A_84] : memref<128x64xf32, #tpu.memory_space<vmem>>, vector<128x64xf32>
    %dot_general3A_86 = arith.constant dense<0.000000e+00> : vector<512x64xf32>
    %dot_general3A_87 = tpu.matmul %max3A_82, %get3A_85, %dot_general3A_86 {dimension_numbers = #tpu.dot_dimension_numbers<[1], [0], [0], [1], [0, 0, 1, 1], [], []>, transpose_lhs_hint = false} : vector<512x128xf32>, vector<128x64xf32>, vector<512x64xf32> -> vector<512x64xf32>
    %get3A_88 = arith.constant 0 : index
    %get3A_89 = arith.constant 0 : index
    %get3A_90 = vector.load %arg10[%get3A_88, %get3A_89] : memref<1x64xf32, #tpu.memory_space<vmem>>, vector<1x64xf32>
    %add3A_91 = vector.broadcast %get3A_90 : vector<1x64xf32> to vector<512x64xf32>
    %add3A_92 = arith.addf %dot_general3A_87, %add3A_91 : vector<512x64xf32>
    %swap3A = arith.constant 0 : index
    %swap3A_93 = arith.constant 0 : index
    %swap3A_94 = vector.load %arg11[%swap3A, %swap3A_93] : memref<512x64xf32, #tpu.memory_space<vmem>>, vector<512x64xf32>
    tpu.vector_store %arg11[%swap3A, %swap3A_93], %add3A_92 {strides = array<i32>} : memref<512x64xf32, #tpu.memory_space<vmem>>, vector<512x64xf32>,
    return
  }
  func.func @transform_0(%arg0: i32) -> (i32, i32) {
    %c0_i32 = arith.constant 0 : i32
    %c0_i32_0 = arith.constant 0 : i32
    return %arg0, %c0_i32 : i32, i32
  }
  func.func @transform_1(%arg0: i32) -> (i32, i32, i32) {
    %c0_i32 = arith.constant 0 : i32
    %c0_i32_0 = arith.constant 0 : i32
    %c0_i32_1 = arith.constant 0 : i32
    return %c0_i32, %arg0, %c0_i32_0 : i32, i32, i32
  }
  func.func @transform_2(%arg0: i32) -> (i32, i32) {
    %c0_i32 = arith.constant 0 : i32
    %c0_i32_0 = arith.constant 0 : i32
    return %arg0, %c0_i32 : i32, i32
  }
  func.func @transform_3(%arg0: i32) -> (i32, i32) {
    %c0_i32 = arith.constant 0 : i32
    %c0_i32_0 = arith.constant 0 : i32
    return %arg0, %c0_i32 : i32, i32
  }
  func.func @transform_4(%arg0: i32) -> (i32, i32) {
    %c0_i32 = arith.constant 0 : i32
    %c0_i32_0 = arith.constant 0 : i32
    %c0_i32_1 = arith.constant 0 : i32
    return %c0_i32, %c0_i32_0 : i32, i32
  }
  func.func @transform_5(%arg0: i32) -> (i32, i32) {
    %c0_i32 = arith.constant 0 : i32
    %c0_i32_0 = arith.constant 0 : i32
    %c0_i32_1 = arith.constant 0 : i32
    return %c0_i32, %c0_i32_0 : i32, i32
  }
  func.func @transform_6(%arg0: i32) -> (i32, i32) {
    %c0_i32 = arith.constant 0 : i32
    %c0_i32_0 = arith.constant 0 : i32
    %c0_i32_1 = arith.constant 0 : i32
    return %c0_i32, %c0_i32_0 : i32, i32
  }
  func.func @transform_7(%arg0: i32) -> (i32, i32) {
    %c0_i32 = arith.constant 0 : i32
    %c0_i32_0 = arith.constant 0 : i32
    %c0_i32_1 = arith.constant 0 : i32
    return %c0_i32, %c0_i32_0 : i32, i32
  }
  func.func @transform_8(%arg0: i32) -> (i32, i32) {
    %c0_i32 = arith.constant 0 : i32
    %c0_i32_0 = arith.constant 0 : i32
    %c0_i32_1 = arith.constant 0 : i32
    return %c0_i32, %c0_i32_0 : i32, i32
  }
  func.func @transform_9(%arg0: i32) -> (i32, i32) {
    %c0_i32 = arith.constant 0 : i32
    %c0_i32_0 = arith.constant 0 : i32
    %c0_i32_1 = arith.constant 0 : i32
    return %c0_i32, %c0_i32_0 : i32, i32
  }
  func.func @transform_10(%arg0: i32) -> (i32, i32) {
    %c0_i32 = arith.constant 0 : i32
    %c0_i32_0 = arith.constant 0 : i32
    return %arg0, %c0_i32 : i32, i32
  }
}

</mosaic_0001>

<sc_bundles>
// kernel: kernel.12.cloned.1.call-start
scs
__scs_entry_jumppad:
0x0: {  	(pc) =	sbr.rel $0x88, $3  }
0x1: {  	(tag) =	ssettag $0x0;
	lr =	simm.s32 $0x1  }
0x2: {  	[smem:$0x3F90] =	sst lr;
	_ =	strace $0xD0000000  }
0x3: {  	_ = 	snop  }
0x4: {  	_ = 	snop  }
0x5: {  	_ = 	snop  }
0x6: {  	_ = 	snop  }
0x7: {  	_ = 	snop  }
__scs_overlays_trampoline_lowered:
0x8: {  	[smem:$0x3F9F] =	sst s0  }
0x9: {  	[smem:$0x3FA0] =	sst s1  }
0xa: {  	[smem:$0x3FA1] =	sst s2  }
0xb: {  	[smem:$0x3FA2] =	sst s3  }
0xc: {  	[smem:$0x3FA3] =	sst s4  }
0xd: {  	[smem:$0x3FA4] =	sst s5  }
0xe: {  	[smem:$0x3FA5] =	sst s6  }
0xf: {  	[smem:$0x3FA6] =	sst s7  }
0x10: {  	[smem:$0x3FA7] =	sst s8  }
0x11: {  	[smem:$0x3FA8] =	sst s9;
	s0 =	simm.s32 @!p0 $0x0  }
0x12: {  	s1 =	sld [smem:$0x3F8E];
	s0 =	simm.s32 @p0 $0x1  }
0x13: {  	[smem:$0x3FA9] =	sst s0;
	s0 =	simm.s32 @!p1 $0x0  }
0x14: {  	s2 =	sld [smem:$0x3F8D];
	s0 =	simm.s32 @p1 $0x1  }
0x15: {  	[smem:$0x3FAA] =	sst s0;
	s0 =	simm.s32 @!p2 $0x0  }
0x16: {  	s3 =	sld [smem:$0x3FDB];
	s0 =	simm.s32 @p2 $0x1  }
0x17: {  	s4 =	simm.s32 $0x1BF5;
	[smem:$0x3FAC] =	sst s0  }
0x18: {  	s0 =	sld [smem:$0x3F8F];
	_ =	swait.ge [sflag:s4], $0x0  }
0x19: {  	s7 =	sld [smem:$0x3F90]  }
0x1a: {  	s8 =	sadd.s32 $0xFFFFE003, lr  }
0x1b: {  	s9 =	sadd.s32 $0xFFFFFEF7, lr;
	s5 =	simm.s32 $0xFFFFFFFF;
	p2 =	slt.u32 s8, $0xFFFFF086  }
0x1c: {  	p1 =	slt.u32 s9, $0xF7A;
	s5 =	simm.s32 @!p2 $0x0  }
0x1d: {  	s5 =	simm.s32 @p1 $0x1;
	p0 =	seq.s32 s7, s2  }
0x1e: {  	s7 =	smul.u32 @!p0 $0xF7A, s2;
	p2 =	seq.s32 @!p0 s5, $0x0  }
0x1f: {  	s9 =	smul.u32 $0xF7A, s1;
	s8 =	simm.s32 @!p0 $0x1BF5;
	p2 =	por !p2, p0  }
0x20: {  	[sflag:s8] =	ssyncset.s32 @!p0 $0xFFFFF086;
	s6 =	sadd.s32 @!p0 s3, s7;
	s7 =	simm.s32 @!p0 $0x108  }
0x21: {  	s3 =	sadd.s32 s3, s9;
	s6 =	sadd.s32 @!p0 $0x88, s6;
	s7 =	simm.s32 @p2 $0x1082  }
0x22: {  	[simem:s7], [sflag:s8] =	dma.local @!p0 [hbm:s6], $0xF7A  }
0x23: {  	s9 =	sor.u32 $0xD0000000, s2;
	s6 =	simm.s32 $0x108;
	_ =	swait.ge @!p0 [sflag:s8], $0x0  }
0x24: {  	s3 =	sadd.s32 $0x88, s3;
	s6 =	simm.s32 @!p1 $0x1082;
	[sflag:s4] =	ssyncset.s32 $0xFFFFF086  }
0x25: {  	[simem:s6], [sflag:s4] =	dma.local [hbm:s3], $0xF7A  }
0x26: {  	[smem:$0x3F90] =	sst s1;
	(tag) =	ssettag s2;
	_ =	strace s9  }
0x27: {  	s1 =	sld [smem:$0x3FA0]  }
0x28: {  	s2 =	sld [smem:$0x3FA1]  }
0x29: {  	s4 =	sld [smem:$0x3FA3]  }
0x2a: {  	p0 =	seq.s32 s5, $0x0;
	s5 =	sld [smem:$0x3FA4]  }
0x2b: {  	s6 =	sld [smem:$0x3FA5]  }
0x2c: {  	s7 =	sld [smem:$0x3FA6]  }
0x2d: {  	s3 =	simm.s32 $0x108;
	s8 =	sld [smem:$0x3FA7]  }
0x2e: {  	s3 =	simm.s32 @!p0 $0x1082;
	s9 =	sld [smem:$0x3FA8]  }
0x2f: {  	lr =	sadd.s32 s0, s3;
	s0 =	sld [smem:$0x3F9F]  }
0x30: {  	s3 =	sld [smem:$0x3FA2]  }
0x31: {  	[smem:$0x3FAB] =	sst s10  }
0x32: {  	s10 =	sld [smem:$0x3FA9];
	_ =	sdelay $0x3  }
0x33: {  	p0 =	seq.s32 s10, $0x1;
	s10 =	sld [smem:$0x3FAB];
	_ =	sdelay $0x3  }
0x34: {  	[smem:$0x3FAB] =	sst s10  }
0x35: {  	s10 =	sld [smem:$0x3FAA];
	_ =	sdelay $0x3  }
0x36: {  	p1 =	seq.s32 s10, $0x1;
	s10 =	sld [smem:$0x3FAB];
	_ =	sdelay $0x3  }
0x37: {  	[smem:$0x3FAB] =	sst s10  }
0x38: {  	s10 =	sld [smem:$0x3FAC]  }
0x39: {  	_ = 	snop;
	(pc) =	sbr.ind lr, $3  }
0x3a: {  	_ = 	snop  }
0x3b: {  	_ = 	snop  }
0x3c: {  	p2 =	seq.s32 s10, $0x1;
	s10 =	sld [smem:$0x3FAB]  }
0x3d: {  	_ =	shalt  }
0x3e: {  	_ =	shalt  }
0x3f: {  	_ =	shalt  }
0x40: {  	_ =	shalt  }
0x41: {  	_ =	shalt  }
0x42: {  	_ =	shalt  }
0x43: {  	_ =	shalt  }
0x44: {  	_ =	shalt  }
0x45: {  	_ =	shalt  }
0x46: {  	_ =	shalt  }
0x47: {  	_ =	shalt  }
0x48: {  	_ =	shalt  }
0x49: {  	_ =	shalt  }
0x4a: {  	_ =	shalt  }
0x4b: {  	_ =	shalt  }
0x4c: {  	_ =	shalt  }
0x4d: {  	_ =	shalt  }
0x4e: {  	_ =	shalt  }
0x4f: {  	_ =	shalt  }
0x50: {  	_ =	shalt  }
0x51: {  	_ =	shalt  }
0x52: {  	_ =	shalt  }
0x53: {  	_ =	shalt  }
0x54: {  	_ =	shalt  }
0x55: {  	_ =	shalt  }
0x56: {  	_ =	shalt  }
0x57: {  	_ =	shalt  }
0x58: {  	_ =	shalt  }
0x59: {  	_ =	shalt  }
0x5a: {  	_ =	shalt  }
0x5b: {  	_ =	shalt  }
0x5c: {  	_ =	shalt  }
0x5d: {  	_ =	shalt  }
0x5e: {  	_ =	shalt  }
0x5f: {  	_ =	shalt  }
0x60: {  	_ =	shalt  }
0x61: {  	_ =	shalt  }
0x62: {  	_ =	shalt  }
0x63: {  	_ =	shalt  }
0x64: {  	_ =	shalt  }
0x65: {  	_ =	shalt  }
0x66: {  	_ =	shalt  }
0x67: {  	_ =	shalt  }
0x68: {  	_ =	shalt  }
0x69: {  	_ =	shalt  }
0x6a: {  	_ =	shalt  }
0x6b: {  	_ =	shalt  }
0x6c: {  	_ =	shalt  }
0x6d: {  	_ =	shalt  }
0x6e: {  	_ =	shalt  }
0x6f: {  	_ =	shalt  }
0x70: {  	_ =	shalt  }
0x71: {  	_ =	shalt  }
0x72: {  	_ =	shalt  }
0x73: {  	_ =	shalt  }
0x74: {  	_ =	shalt  }
0x75: {  	_ =	shalt  }
0x76: {  	_ =	shalt  }
0x77: {  	_ =	shalt  }
0x78: {  	_ =	shalt  }
0x79: {  	_ =	shalt  }
0x7a: {  	_ =	shalt  }
0x7b: {  	_ =	shalt  }
0x7c: {  	_ =	shalt  }
0x7d: {  	_ =	shalt  }
0x7e: {  	_ =	shalt  }
0x7f: {  	_ =	shalt  }
0x80: {  	_ =	shalt  }
0x81: {  	_ =	shalt  }
0x82: {  	_ =	shalt  }
0x83: {  	_ =	shalt  }
0x84: {  	_ =	shalt  }
0x85: {  	_ =	shalt  }
0x86: {  	_ =	shalt  }
0x87: {  	_ =	shalt  }
.Lfunc_end0:
.L_simem_size_0:
called_computation.1_lowered:
.L_overlay_start_0:
0x88: {  	s2 =	sld [smem:$0x3FD9]  }
0x89: {  	s3 =	sld [smem:$0x3FFE];
	_ =	sdelay $0x1  }
0x8a: {  	s1 =	srdreg.scid  }
0x8b: {  	s0 =	sand.u32 $0x1, s1  }
0x8c: {  	s17 =	sshll.u32 s0, $0xA;
	s2 =	sadd.s32 s3, s2  }
0x8d: {  	s2 =	sadd.s32 s2, s17  }
0x8e: {  	[smem:$0x3FB7] =	sst s2  }
0x8f: {  	_ = 	snop  }
0x90: {  	s2 =	sld [smem:$0x3FD0];
	(tm) =	ssettm $0x1  }
0x91: {  	s18 =	sld [smem:$0x3FFB];
	_ =	sdelay $0x3  }
0x92: {  	_ =	strace s18  }
0x93: {  	s3 =	sld [smem:$0x3FFC];
	_ =	sdelay $0x3  }
0x94: {  	_ =	strace s3  }
0x95: {  	s3 =	sld [smem:$0x3FFD];
	_ =	sdelay $0x3  }
0x96: {  	_ =	strace s3  }
0x97: {  	_ =	strace $0x8FFFFFFF  }
0x98: {  	s19 =	sld [smem:$0x3FDB];
	_ =	sdelay $0x1  }
0x99: {  	s4 =	simm.s32 $_scs_section_size  }
0x9a: {  	s5 =	simm.s32 $_size__tile_overlayer_lowered;
	s6 =	simm.s32 $_tile_overlayer_lowered  }
0x9b: {  	s22 =	simm.s32 $0x1BFF;
	s21 =	sshll.u32 s6, $0x1;
	s3 =	sadd.s32 s4, s19  }
0x9c: {  	s7 =	simm.s32 $0x0;
	s20 =	sshll.u32 s5, $0x1;
	s5 =	sadd.s32 s21, s3  }
0x9d: {  	[timem:s7], [sflag:s22] =	dma.local [hbm:s5], s20  }
0x9e: {  	_ =	swait.ge [sflag:s22], s20  }
0x9f: {  	s4 =	ssub.s32 $0x0, s20;
	[sflag:s22] =	ssyncset.done $0x0  }
0xa0: {  	[sflag:s22] =	ssyncadd.s32 s4;
	_ =	sdelay $0x1  }
0xa1: {  	s23 =	simm.s32 $0x1B8B  }
0xa2: {  	_ =	swait.ge [sflag:s23], $0x1  }
0xa3: {  	[sflag:s23] =	ssyncset.done $0x0  }
0xa4: {  	s25 =	simm.s32 $0x1B8E;
	s24 =	sld [smem:$0x3FFE];
	[sflag:s23] =	ssyncadd.s32 $0xFFFFFFFF  }
0xa5: {  	s26 =	simm.s32 $execute0_lowered;
	[smem:$0x3FD2] =	sst s25  }
0xa6: {  	s5 =	sshll.u32 s26, $0x1;
	_ =	strace $0x80000049;
	[dreg:$0x1] =	wrdreg $0xFFFFFFFF  }
0xa7: {  	s28 =	simm.s32 $_size_execute0_lowered;
	s3 =	sadd.s32 s3, s5;
	[dreg:$0x0] =	wrdreg $0x0  }
0xa8: {  	s5 =	sshll.u32 s28, $0x1;
	[dreg:$0x2] =	wrdreg s3  }
0xa9: {  	[dreg:$0x3] =	wrdreg s5  }
0xaa: {  	[dreg:$0x4] =	wrdreg $0xC0  }
0xab: {  	_ =	task [dreg:s7], $0x5FFFF  }
0xac: {  	[dreg:$0x1] =	wrdreg $0xFFFFFFFF  }
0xad: {  	[dreg:$0x0] =	wrdreg $0x60  }
0xae: {  	[dreg:$0x2] =	wrdreg s24  }
0xaf: {  	[dreg:$0x3] =	wrdreg s2  }
0xb0: {  	[dreg:$0x4] =	wrdreg $0x88000  }
0xb1: {  	[dreg:$0x5] =	wrdreg $0x9  }
0xb2: {  	_ =	task.clear_ibuf [dreg:s7], $0x6FFFF;
	_ =	strace $0x90000049  }
0xb3: {  	s29 =	simm.s32 $0x9;
	_ =	strace $0x8000004B  }
0xb4: {  	_ =	swait.ge [sflag:s29], $0x1  }
0xb5: {  	[sflag:s29] =	ssyncadd.s32 $0xFFFFFFFF  }
0xb6: {  	_ =	strace $0x9000004B  }
0xb7: {  	_ =	sfence  }
0xb8: {  	s30 =	sld [smem:$0x0];
	_ =	sdelay $0x2  }
0xb9: {  	s31 =	sshll.u32 s1, $0xD;
	s1 =	sshrl.u32 s1, $0x2  }
0xba: {  	s3 =	sand.u32 $0x4000, s31;
	s1 =	sadd.s32 s1, s30  }
0xbb: {  	s0 =	sor.u32 s3, s0;
	s1 =	sshll.u32 s1, $0x11  }
0xbc: {  	s0 =	sor.u32 s1, s0  }
0xbd: {  	s0 =	sadd.s32 $0x8F2B, s0  }
0xbe: {  	[sflag:s0] =	ssyncadd.remote.s32 $0x1  }
0xbf: {  	_ =	sfence.sel $0xFFFF  }
0xc0: {  	[dreg:$0x0] =	wrdreg $0xFFFFFFFF;
	(pc) =	sbr.abs _section_cstart, $3  }
0xc1: {  	[dreg:$0x1] =	wrdreg $0xFFFFFFFF  }
0xc2: {  	_ =	task.clear_ibuf [dreg:s7], $0x2FFFF;
	_ =	strace $0x9FFFFFFF  }
0xc3: {  	(tm) =	ssettm $0x7FFFFFFF  }
tec
execute0_lowered:
.L_overlay_start_1:
0x0: {  	(tag) =	ssettag $0x1  }
0x1: {  	s0 =	rddreg [dreg:$0x0]  }
0x2: {  	s2 =	rddreg [dreg:$0x1]  }
0x3: {  	s1 =	rddreg [dreg:$0x2]  }
0x4: {  	s3 =	simm.s32 $0x0;
	s4 =	srdreg.scid;
	s12 =	stileid.u32  }
0x5: {  	s13 =	simm.s32 $0x400;
	s14 =	simm.s32 $0x80;
	s15 =	simm.s32 $0x800  }
0x6: {  	s16 =	simm.s32 $0x4800;
	s17 =	simm.s32 $0x1;
	s18 =	simm.s32 $0x100  }
0x7: {  	s19 =	simm.s32 $0x2;
	s28 =	simm.s32 $0x300;
	s29 =	simm.s32 $0x680  }
0x8: {  	s30 =	simm.s32 $0x380;
	s8 =	sand.u32 $0x1, s4;
	s4 =	smul.u32 $0x98, s12  }
0x9: {  	s31 =	simm.s32 $0x700;
	[smem:$0x7FF] =	sst s3;
	s6 =	smul.u32 $0x14000, s12  }
0xa: {  	s5 =	sshll.u32 s12, $0x3;
	s11 =	smul.u32 $0x50000, s12;
	s23 =	sshll.u32 s12, $0x6  }
0xb: {  	s12 =	simm.s32 $0x3;
	p0 =	seq.s32 s8, $0x0;
	s5 =	sor.u32 $0x980, s5  }
0xc: {  	s7 =	smul.u32 $0x140000, s8;
	_ =	strace $0x8000004A;
	s20 =	ssub.s32 $0x2, s8  }
0xd: {  	s5 =	smov.u32 @p0 s4;
	s4 =	sadd.s32 $0x69800, s0;
	s10 =	sshrl.u32 s6, $0x3  }
0xe: {  	s21 =	sshrl.u32 s20, $0x1;
	s22 =	sshrl.u32 s11, $0x2;
	p0 =	sne.s32 s8, $0x0  }
0xf: {  	s5 =	sshll.u32 s5, $0x4;
	s6 =	sadd.s32 s6, s7;
	s10 =	sadd.s32 s10, s0  }
0x10: {  	s7 =	ssub.s32 s20, s21;
	s24 =	sadd.s32 s22, s1;
	s20 =	simm.s32 $0x480  }
0x11: {  	s21 =	simm.s32 $0x180;
	s22 =	simm.s32 $0x500;
	s9 =	sadd.s32 s5, s0  }
0x12: {  	s6 =	sshrl.u32 s6, $0x3;
	s25 =	sadd.s32 $0x91800, s10;
	s26 =	smax.u32 s7, $0x1  }
0x13: {  	s5 =	sadd.s32 s5, s2;
	s11 =	sshrl.u32 s24, $0x3;
	s24 =	simm.s32 $0x580  }
0x14: {  	s2 =	simm.s32 $0x0;
	s0 =	sadd.s32 s6, s0;
	[dreg:$0x4] =	wrdreg s25  }
0x15: {  	s6 =	sor.u32 $0x1C03, s23;
	[dreg:$0x6] =	wrdreg s26;
	s7 =	sadd.s32 $0x4E00, s9  }
0x16: {  	s23 =	simm.s32 $0x200;
	s25 =	simm.s32 $0x280;
	s0 =	sadd.s32 $0xB9800, s0  }
0x17: {  	s26 =	simm.s32 $0x600;
	[dreg:$0x5] =	wrdreg s0;
	s0 =	simm.s32 $0x780  }
.LBB2_1:
0x18: {  	s8 =	rddreg [dreg:$0x4]  }
0x19: {  	[spmem:s11], [sflag:s6] =	dma.local [hbm:s8], $0x2800  }
0x1a: {  	_ =	swait.ge [sflag:s12], $0x2800  }
0x1b: {  	[sflag:s12] =	ssyncset.done $0x0  }
0x1c: {  	s10 =	smov.u32 s5;
	[sflag:s12] =	ssyncadd.s32 $0xFFFFD800  }
0x1d: {  	s9 =	smov.u32 s7;
	s8 =	simm.s32 $0x0;
	[bflag:$0x0] =	sbarrier.arrive $0xFFFF  }
.LBB2_2:
0x1e: {  	[tilespmem:s3], [sflag:$0x3] =	stream.linear.gather [hbm4b:s10+s3], $0x400, $0x38;
	[tilespmem:$0x1C800] =	vst v63  }
0x1f: {  	_ =	swait.ge [sflag:s12], $0x400  }
0x20: {  	[sflag:s12] =	ssyncset.done $0x0  }
0x21: {  	[sflag:s12] =	ssyncadd.s32 $0xFFFFFC00  }
0x22: {  	[tilespmem:s13], [sflag:$0x3] =	stream.linear.gather [hbm4b:s9+s3], $0x400, $0x38;
	[tilespmem:$0x1C800] =	vst v63  }
0x23: {  	_ =	swait.ge [sflag:s12], $0x400  }
0x24: {  	[sflag:s12] =	ssyncset.done $0x0  }
0x25: {  	[sflag:s12] =	ssyncadd.s32 $0xFFFFFC00  }
0x26: {  	[tilespmem:s15], [sflag:$0x1] =	stream.indirect.gather [hbm4b:s4+s14], $0x80, s3, s14, $0xb8;
	[tilespmem:$0x1C800] =	vst v63  }
0x27: {  	_ = 	snop  }
0x28: {  	[tilespmem:s16], [sflag:$0x2] =	stream.indirect.gather [hbm4b:s4+s14], $0x80, s14, s14, $0xb8;
	[tilespmem:$0x1C800] =	vst v63  }
0x29: {  	_ =	swait.ge [sflag:s17], $0x4000  }
0x2a: {  	[sflag:s17] =	ssyncset.done $0x0  }
0x2b: {  	[sflag:s17] =	ssyncadd.s32 $0xFFFFC000  }
0x2c: {  	[spmem:s1] =	stream.indirect.scatter.add.f32 [tilespmem:s15], [sflag:$0x3], $0x80, s13, s14, $0xb8;
	[tilespmem:$0x1C800] =	vst v63  }
0x2d: {  	_ =	swait.ge [sflag:s12], $0x4000  }
0x2e: {  	[sflag:s12] =	ssyncset.done $0x0  }
0x2f: {  	[sflag:s12] =	ssyncadd.s32 $0xFFFFC000  }
0x30: {  	[tilespmem:s15], [sflag:$0x1] =	stream.indirect.gather [hbm4b:s4+s14], $0x80, s18, s14, $0xb8;
	[tilespmem:$0x1C800] =	vst v63  }
0x31: {  	_ =	swait.ge [sflag:s19], $0x4000  }
0x32: {  	[sflag:s19] =	ssyncset.done $0x0  }
0x33: {  	[sflag:s19] =	ssyncadd.s32 $0xFFFFC000  }
0x34: {  	[spmem:s1] =	stream.indirect.scatter.add.f32 [tilespmem:s16], [sflag:$0x3], $0x80, s20, s14, $0xb8;
	[tilespmem:$0x1C800] =	vst v63  }
0x35: {  	_ =	swait.ge [sflag:s12], $0x4000  }
0x36: {  	[sflag:s12] =	ssyncset.done $0x0  }
0x37: {  	[sflag:s12] =	ssyncadd.s32 $0xFFFFC000  }
0x38: {  	[tilespmem:s16], [sflag:$0x2] =	stream.indirect.gather [hbm4b:s4+s14], $0x80, s21, s14, $0xb8;
	[tilespmem:$0x1C800] =	vst v63  }
0x39: {  	_ =	swait.ge [sflag:s17], $0x4000  }
0x3a: {  	[sflag:s17] =	ssyncset.done $0x0  }
0x3b: {  	[sflag:s17] =	ssyncadd.s32 $0xFFFFC000  }
0x3c: {  	[spmem:s1] =	stream.indirect.scatter.add.f32 [tilespmem:s15], [sflag:$0x3], $0x80, s22, s14, $0xb8;
	[tilespmem:$0x1C800] =	vst v63  }
0x3d: {  	_ =	swait.ge [sflag:s12], $0x4000  }
0x3e: {  	[sflag:s12] =	ssyncset.done $0x0  }
0x3f: {  	[sflag:s12] =	ssyncadd.s32 $0xFFFFC000  }
0x40: {  	[tilespmem:s15], [sflag:$0x1] =	stream.indirect.gather [hbm4b:s4+s14], $0x80, s23, s14, $0xb8;
	[tilespmem:$0x1C800] =	vst v63  }
0x41: {  	_ =	swait.ge [sflag:s19], $0x4000  }
0x42: {  	[sflag:s19] =	ssyncset.done $0x0  }
0x43: {  	[sflag:s19] =	ssyncadd.s32 $0xFFFFC000  }
0x44: {  	[spmem:s1] =	stream.indirect.scatter.add.f32 [tilespmem:s16], [sflag:$0x3], $0x80, s24, s14, $0xb8;
	[tilespmem:$0x1C800] =	vst v63  }
0x45: {  	_ =	swait.ge [sflag:s12], $0x4000  }
0x46: {  	[sflag:s12] =	ssyncset.done $0x0  }
0x47: {  	[sflag:s12] =	ssyncadd.s32 $0xFFFFC000  }
0x48: {  	[tilespmem:s16], [sflag:$0x2] =	stream.indirect.gather [hbm4b:s4+s14], $0x80, s25, s14, $0xb8;
	[tilespmem:$0x1C800] =	vst v63  }
0x49: {  	_ =	swait.ge [sflag:s17], $0x4000  }
0x4a: {  	[sflag:s17] =	ssyncset.done $0x0  }
0x4b: {  	[sflag:s17] =	ssyncadd.s32 $0xFFFFC000  }
0x4c: {  	[spmem:s1] =	stream.indirect.scatter.add.f32 [tilespmem:s15], [sflag:$0x3], $0x80, s26, s14, $0xb8;
	[tilespmem:$0x1C800] =	vst v63  }
0x4d: {  	_ =	swait.ge [sflag:s12], $0x4000  }
0x4e: {  	[sflag:s12] =	ssyncset.done $0x0  }
0x4f: {  	[sflag:s12] =	ssyncadd.s32 $0xFFFFC000  }
0x50: {  	[tilespmem:s15], [sflag:$0x1] =	stream.indirect.gather [hbm4b:s4+s14], $0x80, s28, s14, $0xb8;
	[tilespmem:$0x1C800] =	vst v63  }
0x51: {  	_ =	swait.ge [sflag:s19], $0x4000  }
0x52: {  	[sflag:s19] =	ssyncset.done $0x0  }
0x53: {  	[sflag:s19] =	ssyncadd.s32 $0xFFFFC000  }
0x54: {  	[spmem:s1] =	stream.indirect.scatter.add.f32 [tilespmem:s16], [sflag:$0x3], $0x80, s29, s14, $0xb8;
	[tilespmem:$0x1C800] =	vst v63  }
0x55: {  	_ =	swait.ge [sflag:s12], $0x4000  }
0x56: {  	[sflag:s12] =	ssyncset.done $0x0  }
0x57: {  	[sflag:s12] =	ssyncadd.s32 $0xFFFFC000  }
0x58: {  	[tilespmem:s16], [sflag:$0x2] =	stream.indirect.gather [hbm4b:s4+s14], $0x80, s30, s14, $0xb8;
	[tilespmem:$0x1C800] =	vst v63  }
0x59: {  	_ =	swait.ge [sflag:s17], $0x4000  }
0x5a: {  	[sflag:s17] =	ssyncset.done $0x0  }
0x5b: {  	[sflag:s17] =	ssyncadd.s32 $0xFFFFC000  }
0x5c: {  	[spmem:s1] =	stream.indirect.scatter.add.f32 [tilespmem:s15], [sflag:$0x3], $0x80, s31, s14, $0xb8;
	[tilespmem:$0x1C800] =	vst v63  }
0x5d: {  	_ =	swait.ge [sflag:s12], $0x4000  }
0x5e: {  	[sflag:s12] =	ssyncset.done $0x0  }
0x5f: {  	[sflag:s12] =	ssyncadd.s32 $0xFFFFC000  }
0x60: {  	p1 =	slt.u32 @!p0 s8, $0x12;
	_ =	swait.ge [sflag:s19], $0x4000  }
0x61: {  	p1 =	por p0, !p1;
	[sflag:s19] =	ssyncset.done $0x0  }
.Ltmp0:
0x62: {  	[sflag:s19] =	ssyncadd.s32 $0xFFFFC000;
	(pc) =	sbr.rel @!p1 .LBB2_2-.Ltmp0, $4  }
0x63: {  	[spmem:s1] =	stream.indirect.scatter.add.f32 [tilespmem:s16], [sflag:$0x3], $0x80, s0, s14, $0xb8;
	[tilespmem:$0x1C800] =	vst v63  }
0x64: {  	_ =	swait.ge [sflag:s12], $0x4000  }
0x65: {  	s8 =	sadd.s32 $0x1, s8;
	[sflag:s12] =	ssyncset.done $0x0  }
0x66: {  	s10 =	sadd.s32 $0x80, s10;
	s9 =	sadd.s32 $0x80, s9;
	[sflag:s12] =	ssyncadd.s32 $0xFFFFC000  }
0x67: {  	[bflag:$0x0] =	sbarrier.arrive $0xFFFF  }
0x68: {  	s8 =	rddreg [dreg:$0x5]  }
0x69: {  	[hbm:s8], [sflag:s6] =	dma.local [spmem:s11], $0x2800  }
0x6a: {  	_ =	swait.ge [sflag:s12], $0x2800  }
0x6b: {  	s2 =	sadd.s32 $0x1, s2;
	s10 =	rddreg [dreg:$0x6]  }
0x6c: {  	p1 =	sne.s32 s2, s10  }
.Ltmp1:
0x6d: {  	_ = 	snop;
	(pc) =	sbr.rel @p1 .LBB2_1-.Ltmp1, $3  }
0x6e: {  	_ =	sdelay $0x1  }
0x6f: {  	[sflag:s12] =	ssyncset.done $0x0  }
0x70: {  	[sflag:s12] =	ssyncadd.s32 $0xFFFFD800  }
0x71: {  	_ =	sfence.sel $0x180000  }
0x72: {  	[bflag:$0x0] =	sbarrier.arrive $0xFFFF  }
0x73: {  	_ =	strace $0x9000004A  }
0x74: {  	s0 =	stileid.u32;
	[bflag:$0x2] =	sbarrier.arrive $0xFFFF  }
0x75: {  	p0 =	sne.s32 s0, $0x0;
	s0 =	rddreg [dreg:$0x3]  }
0x76: {  	s0 =	sadd.s32 @!p0 $0x100000, s0  }
0x77: {  	[sflag:s0] =	ssyncadd.tile.s32 @!p0 $0x1;
	_ =	shalt  }
.Lfunc_end2:
_tile_overlayer_lowered:
.L_overlay_start_2:
0x78: {  	(tag) =	ssettag $0x2  }
0x79: {  	s0 =	rddreg [dreg:$0x0];
	s2 =	stileid.u32  }
0x7a: {  	s1 =	rddreg [dreg:$0x1];
	p0 =	sne.s32 s2, $0x0  }
0x7b: {  	s3 =	rddreg [dreg:$0x2];
	[bflag:$0x3] =	sbarrier.arrive $0xFFFF;
	s2 =	simm.s32 @!p0 $0x1C03  }
0x7c: {  	[timem:s3], [sflag:s2] =	dma.local @!p0 [hbm:s0], s1  }
0x7d: {  	s0 =	simm.s32 @!p0 $0x3  }
0x7e: {  	_ =	swait.ge @!p0 [sflag:s0], s1  }
0x7f: {  	s1 =	ssub.s32 @!p0 $0x0, s1;
	[sflag:s0] =	ssyncset.done @!p0 $0x0  }
0x80: {  	[sflag:s0] =	ssyncadd.s32 @!p0 s1  }
0x81: {  	[bflag:$0x3] =	sbarrier.arrive $0xFFFF  }
0x82: {  	_ =	shalt  }

// kernel: kernel.15.cloned.1.call-start
scs
__scs_entry_jumppad:
0x0: {  	(pc) =	sbr.rel $0x88, $3  }
0x1: {  	(tag) =	ssettag $0x0;
	lr =	simm.s32 $0x1  }
0x2: {  	[smem:$0x3F90] =	sst lr;
	_ =	strace $0xD0000000  }
0x3: {  	_ = 	snop  }
0x4: {  	_ = 	snop  }
0x5: {  	_ = 	snop  }
0x6: {  	_ = 	snop  }
0x7: {  	_ = 	snop  }
__scs_overlays_trampoline_lowered:
0x8: {  	[smem:$0x3F9F] =	sst s0  }
0x9: {  	[smem:$0x3FA0] =	sst s1  }
0xa: {  	[smem:$0x3FA1] =	sst s2  }
0xb: {  	[smem:$0x3FA2] =	sst s3  }
0xc: {  	[smem:$0x3FA3] =	sst s4  }
0xd: {  	[smem:$0x3FA4] =	sst s5  }
0xe: {  	[smem:$0x3FA5] =	sst s6  }
0xf: {  	[smem:$0x3FA6] =	sst s7  }
0x10: {  	[smem:$0x3FA7] =	sst s8  }
0x11: {  	[smem:$0x3FA8] =	sst s9;
	s0 =	simm.s32 @!p0 $0x0  }
0x12: {  	s1 =	sld [smem:$0x3F8E];
	s0 =	simm.s32 @p0 $0x1  }
0x13: {  	[smem:$0x3FA9] =	sst s0;
	s0 =	simm.s32 @!p1 $0x0  }
0x14: {  	s2 =	sld [smem:$0x3F8D];
	s0 =	simm.s32 @p1 $0x1  }
0x15: {  	[smem:$0x3FAA] =	sst s0;
	s0 =	simm.s32 @!p2 $0x0  }
0x16: {  	s3 =	sld [smem:$0x3FDB];
	s0 =	simm.s32 @p2 $0x1  }
0x17: {  	s4 =	simm.s32 $0x1BF5;
	[smem:$0x3FAC] =	sst s0  }
0x18: {  	s0 =	sld [smem:$0x3F8F];
	_ =	swait.ge [sflag:s4], $0x0  }
0x19: {  	s7 =	sld [smem:$0x3F90]  }
0x1a: {  	s8 =	sadd.s32 $0xFFFFE003, lr  }
0x1b: {  	s9 =	sadd.s32 $0xFFFFFEF7, lr;
	s5 =	simm.s32 $0xFFFFFFFF;
	p2 =	slt.u32 s8, $0xFFFFF086  }
0x1c: {  	p1 =	slt.u32 s9, $0xF7A;
	s5 =	simm.s32 @!p2 $0x0  }
0x1d: {  	s5 =	simm.s32 @p1 $0x1;
	p0 =	seq.s32 s7, s2  }
0x1e: {  	s7 =	smul.u32 @!p0 $0xF7A, s2;
	p2 =	seq.s32 @!p0 s5, $0x0  }
0x1f: {  	s9 =	smul.u32 $0xF7A, s1;
	s8 =	simm.s32 @!p0 $0x1BF5;
	p2 =	por !p2, p0  }
0x20: {  	[sflag:s8] =	ssyncset.s32 @!p0 $0xFFFFF086;
	s6 =	sadd.s32 @!p0 s3, s7;
	s7 =	simm.s32 @!p0 $0x108  }
0x21: {  	s3 =	sadd.s32 s3, s9;
	s6 =	sadd.s32 @!p0 $0x88, s6;
	s7 =	simm.s32 @p2 $0x1082  }
0x22: {  	[simem:s7], [sflag:s8] =	dma.local @!p0 [hbm:s6], $0xF7A  }
0x23: {  	s9 =	sor.u32 $0xD0000000, s2;
	s6 =	simm.s32 $0x108;
	_ =	swait.ge @!p0 [sflag:s8], $0x0  }
0x24: {  	s3 =	sadd.s32 $0x88, s3;
	s6 =	simm.s32 @!p1 $0x1082;
	[sflag:s4] =	ssyncset.s32 $0xFFFFF086  }
0x25: {  	[simem:s6], [sflag:s4] =	dma.local [hbm:s3], $0xF7A  }
0x26: {  	[smem:$0x3F90] =	sst s1;
	(tag) =	ssettag s2;
	_ =	strace s9  }
0x27: {  	s1 =	sld [smem:$0x3FA0]  }
0x28: {  	s2 =	sld [smem:$0x3FA1]  }
0x29: {  	s4 =	sld [smem:$0x3FA3]  }
0x2a: {  	p0 =	seq.s32 s5, $0x0;
	s5 =	sld [smem:$0x3FA4]  }
0x2b: {  	s6 =	sld [smem:$0x3FA5]  }
0x2c: {  	s7 =	sld [smem:$0x3FA6]  }
0x2d: {  	s3 =	simm.s32 $0x108;
	s8 =	sld [smem:$0x3FA7]  }
0x2e: {  	s3 =	simm.s32 @!p0 $0x1082;
	s9 =	sld [smem:$0x3FA8]  }
0x2f: {  	lr =	sadd.s32 s0, s3;
	s0 =	sld [smem:$0x3F9F]  }
0x30: {  	s3 =	sld [smem:$0x3FA2]  }
0x31: {  	[smem:$0x3FAB] =	sst s10  }
0x32: {  	s10 =	sld [smem:$0x3FA9];
	_ =	sdelay $0x3  }
0x33: {  	p0 =	seq.s32 s10, $0x1;
	s10 =	sld [smem:$0x3FAB];
	_ =	sdelay $0x3  }
0x34: {  	[smem:$0x3FAB] =	sst s10  }
0x35: {  	s10 =	sld [smem:$0x3FAA];
	_ =	sdelay $0x3  }
0x36: {  	p1 =	seq.s32 s10, $0x1;
	s10 =	sld [smem:$0x3FAB];
	_ =	sdelay $0x3  }
0x37: {  	[smem:$0x3FAB] =	sst s10  }
0x38: {  	s10 =	sld [smem:$0x3FAC]  }
0x39: {  	_ = 	snop;
	(pc) =	sbr.ind lr, $3  }
0x3a: {  	_ = 	snop  }
0x3b: {  	_ = 	snop  }
0x3c: {  	p2 =	seq.s32 s10, $0x1;
	s10 =	sld [smem:$0x3FAB]  }
0x3d: {  	_ =	shalt  }
0x3e: {  	_ =	shalt  }
0x3f: {  	_ =	shalt  }
0x40: {  	_ =	shalt  }
0x41: {  	_ =	shalt  }
0x42: {  	_ =	shalt  }
0x43: {  	_ =	shalt  }
0x44: {  	_ =	shalt  }
0x45: {  	_ =	shalt  }
0x46: {  	_ =	shalt  }
0x47: {  	_ =	shalt  }
0x48: {  	_ =	shalt  }
0x49: {  	_ =	shalt  }
0x4a: {  	_ =	shalt  }
0x4b: {  	_ =	shalt  }
0x4c: {  	_ =	shalt  }
0x4d: {  	_ =	shalt  }
0x4e: {  	_ =	shalt  }
0x4f: {  	_ =	shalt  }
0x50: {  	_ =	shalt  }
0x51: {  	_ =	shalt  }
0x52: {  	_ =	shalt  }
0x53: {  	_ =	shalt  }
0x54: {  	_ =	shalt  }
0x55: {  	_ =	shalt  }
0x56: {  	_ =	shalt  }
0x57: {  	_ =	shalt  }
0x58: {  	_ =	shalt  }
0x59: {  	_ =	shalt  }
0x5a: {  	_ =	shalt  }
0x5b: {  	_ =	shalt  }
0x5c: {  	_ =	shalt  }
0x5d: {  	_ =	shalt  }
0x5e: {  	_ =	shalt  }
0x5f: {  	_ =	shalt  }
0x60: {  	_ =	shalt  }
0x61: {  	_ =	shalt  }
0x62: {  	_ =	shalt  }
0x63: {  	_ =	shalt  }
0x64: {  	_ =	shalt  }
0x65: {  	_ =	shalt  }
0x66: {  	_ =	shalt  }
0x67: {  	_ =	shalt  }
0x68: {  	_ =	shalt  }
0x69: {  	_ =	shalt  }
0x6a: {  	_ =	shalt  }
0x6b: {  	_ =	shalt  }
0x6c: {  	_ =	shalt  }
0x6d: {  	_ =	shalt  }
0x6e: {  	_ =	shalt  }
0x6f: {  	_ =	shalt  }
0x70: {  	_ =	shalt  }
0x71: {  	_ =	shalt  }
0x72: {  	_ =	shalt  }
0x73: {  	_ =	shalt  }
0x74: {  	_ =	shalt  }
0x75: {  	_ =	shalt  }
0x76: {  	_ =	shalt  }
0x77: {  	_ =	shalt  }
0x78: {  	_ =	shalt  }
0x79: {  	_ =	shalt  }
0x7a: {  	_ =	shalt  }
0x7b: {  	_ =	shalt  }
0x7c: {  	_ =	shalt  }
0x7d: {  	_ =	shalt  }
0x7e: {  	_ =	shalt  }
0x7f: {  	_ =	shalt  }
0x80: {  	_ =	shalt  }
0x81: {  	_ =	shalt  }
0x82: {  	_ =	shalt  }
0x83: {  	_ =	shalt  }
0x84: {  	_ =	shalt  }
0x85: {  	_ =	shalt  }
0x86: {  	_ =	shalt  }
0x87: {  	_ =	shalt  }
.Lfunc_end0:
.L_simem_size_0:
called_computation.2_lowered:
.L_overlay_start_0:
0x88: {  	s2 =	sld [smem:$0x3FD9]  }
0x89: {  	s3 =	sld [smem:$0x3FFE];
	_ =	sdelay $0x1  }
0x8a: {  	s1 =	srdreg.scid  }
0x8b: {  	s0 =	sand.u32 $0x1, s1  }
0x8c: {  	s17 =	sshll.u32 s0, $0xA;
	s2 =	sadd.s32 s3, s2  }
0x8d: {  	s2 =	sadd.s32 s2, s17  }
0x8e: {  	[smem:$0x3FB7] =	sst s2  }
0x8f: {  	_ = 	snop  }
0x90: {  	s2 =	sld [smem:$0x3FD0];
	(tm) =	ssettm $0x1  }
0x91: {  	s18 =	sld [smem:$0x3FFB];
	_ =	sdelay $0x3  }
0x92: {  	_ =	strace s18  }
0x93: {  	s3 =	sld [smem:$0x3FFC];
	_ =	sdelay $0x3  }
0x94: {  	_ =	strace s3  }
0x95: {  	s3 =	sld [smem:$0x3FFD];
	_ =	sdelay $0x3  }
0x96: {  	_ =	strace s3  }
0x97: {  	_ =	strace $0x8FFFFFFF  }
0x98: {  	s19 =	sld [smem:$0x3FDB];
	_ =	sdelay $0x1  }
0x99: {  	s4 =	simm.s32 $_scs_section_size  }
0x9a: {  	s5 =	simm.s32 $_size__tile_overlayer_lowered;
	s6 =	simm.s32 $_tile_overlayer_lowered  }
0x9b: {  	s22 =	simm.s32 $0x1BFF;
	s21 =	sshll.u32 s6, $0x1;
	s3 =	sadd.s32 s4, s19  }
0x9c: {  	s7 =	simm.s32 $0x0;
	s20 =	sshll.u32 s5, $0x1;
	s5 =	sadd.s32 s21, s3  }
0x9d: {  	[timem:s7], [sflag:s22] =	dma.local [hbm:s5], s20  }
0x9e: {  	_ =	swait.ge [sflag:s22], s20  }
0x9f: {  	s4 =	ssub.s32 $0x0, s20;
	[sflag:s22] =	ssyncset.done $0x0  }
0xa0: {  	[sflag:s22] =	ssyncadd.s32 s4;
	_ =	sdelay $0x1  }
0xa1: {  	s23 =	simm.s32 $0x1B8B  }
0xa2: {  	_ =	swait.ge [sflag:s23], $0x1  }
0xa3: {  	[sflag:s23] =	ssyncset.done $0x0  }
0xa4: {  	s25 =	simm.s32 $0x1B8E;
	s24 =	sld [smem:$0x3FFE];
	[sflag:s23] =	ssyncadd.s32 $0xFFFFFFFF  }
0xa5: {  	s26 =	simm.s32 $execute0_lowered;
	[smem:$0x3FD2] =	sst s25  }
0xa6: {  	s5 =	sshll.u32 s26, $0x1;
	_ =	strace $0x8000004C;
	[dreg:$0x1] =	wrdreg $0xFFFFFFFF  }
0xa7: {  	s28 =	simm.s32 $_size_execute0_lowered;
	s3 =	sadd.s32 s3, s5;
	[dreg:$0x0] =	wrdreg $0x0  }
0xa8: {  	s5 =	sshll.u32 s28, $0x1;
	[dreg:$0x2] =	wrdreg s3  }
0xa9: {  	[dreg:$0x3] =	wrdreg s5  }
0xaa: {  	[dreg:$0x4] =	wrdreg $0xC0  }
0xab: {  	_ =	task [dreg:s7], $0x5FFFF  }
0xac: {  	[dreg:$0x1] =	wrdreg $0xFFFFFFFF  }
0xad: {  	[dreg:$0x0] =	wrdreg $0x60  }
0xae: {  	[dreg:$0x2] =	wrdreg s24  }
0xaf: {  	[dreg:$0x3] =	wrdreg s2  }
0xb0: {  	[dreg:$0x4] =	wrdreg $0x88000  }
0xb1: {  	[dreg:$0x5] =	wrdreg $0x9  }
0xb2: {  	_ =	task.clear_ibuf [dreg:s7], $0x6FFFF;
	_ =	strace $0x9000004C  }
0xb3: {  	s29 =	simm.s32 $0x9;
	_ =	strace $0x8000004E  }
0xb4: {  	_ =	swait.ge [sflag:s29], $0x1  }
0xb5: {  	[sflag:s29] =	ssyncadd.s32 $0xFFFFFFFF  }
0xb6: {  	_ =	strace $0x9000004E  }
0xb7: {  	_ =	sfence  }
0xb8: {  	s30 =	sld [smem:$0x0];
	_ =	sdelay $0x2  }
0xb9: {  	s31 =	sshll.u32 s1, $0xD;
	s1 =	sshrl.u32 s1, $0x2  }
0xba: {  	s3 =	sand.u32 $0x4000, s31;
	s1 =	sadd.s32 s1, s30  }
0xbb: {  	s0 =	sor.u32 s3, s0;
	s1 =	sshll.u32 s1, $0x11  }
0xbc: {  	s0 =	sor.u32 s1, s0  }
0xbd: {  	s0 =	sadd.s32 $0x8F2B, s0  }
0xbe: {  	[sflag:s0] =	ssyncadd.remote.s32 $0x1  }
0xbf: {  	_ =	sfence.sel $0xFFFF  }
0xc0: {  	[dreg:$0x0] =	wrdreg $0xFFFFFFFF;
	(pc) =	sbr.abs _section_cstart, $3  }
0xc1: {  	[dreg:$0x1] =	wrdreg $0xFFFFFFFF  }
0xc2: {  	_ =	task.clear_ibuf [dreg:s7], $0x2FFFF;
	_ =	strace $0x9FFFFFFF  }
0xc3: {  	(tm) =	ssettm $0x7FFFFFFF  }
tec
execute0_lowered:
.L_overlay_start_1:
0x0: {  	(tag) =	ssettag $0x1  }
0x1: {  	s0 =	rddreg [dreg:$0x0]  }
0x2: {  	s2 =	rddreg [dreg:$0x1]  }
0x3: {  	s1 =	rddreg [dreg:$0x2]  }
0x4: {  	s3 =	simm.s32 $0x0;
	s4 =	srdreg.scid;
	s12 =	stileid.u32  }
0x5: {  	s13 =	simm.s32 $0x400;
	s14 =	simm.s32 $0x80;
	s15 =	simm.s32 $0x800  }
0x6: {  	s16 =	simm.s32 $0x4800;
	s17 =	simm.s32 $0x1;
	s18 =	simm.s32 $0x100  }
0x7: {  	s19 =	simm.s32 $0x2;
	s28 =	simm.s32 $0x300;
	s29 =	simm.s32 $0x680  }
0x8: {  	s30 =	simm.s32 $0x380;
	s8 =	sand.u32 $0x1, s4;
	s4 =	smul.u32 $0x98, s12  }
0x9: {  	s31 =	simm.s32 $0x700;
	[smem:$0x7FF] =	sst s3;
	s6 =	smul.u32 $0x14000, s12  }
0xa: {  	s5 =	sshll.u32 s12, $0x3;
	s11 =	smul.u32 $0x50000, s12;
	s23 =	sshll.u32 s12, $0x6  }
0xb: {  	s12 =	simm.s32 $0x3;
	p0 =	seq.s32 s8, $0x0;
	s5 =	sor.u32 $0x980, s5  }
0xc: {  	s7 =	smul.u32 $0x140000, s8;
	_ =	strace $0x8000004D;
	s20 =	ssub.s32 $0x2, s8  }
0xd: {  	s5 =	smov.u32 @p0 s4;
	s4 =	sadd.s32 $0x36E00, s0;
	s10 =	sshrl.u32 s6, $0x3  }
0xe: {  	s21 =	sshrl.u32 s20, $0x1;
	s22 =	sshrl.u32 s11, $0x2;
	p0 =	sne.s32 s8, $0x0  }
0xf: {  	s5 =	sshll.u32 s5, $0x4;
	s6 =	sadd.s32 s6, s7;
	s10 =	sadd.s32 s10, s0  }
0x10: {  	s7 =	ssub.s32 s20, s21;
	s24 =	sadd.s32 s22, s1;
	s20 =	simm.s32 $0x480  }
0x11: {  	s21 =	simm.s32 $0x180;
	s22 =	simm.s32 $0x500;
	s9 =	sadd.s32 s5, s0  }
0x12: {  	s6 =	sshrl.u32 s6, $0x3;
	s25 =	sadd.s32 $0x91800, s10;
	s26 =	smax.u32 s7, $0x1  }
0x13: {  	s5 =	sadd.s32 s5, s2;
	s11 =	sshrl.u32 s24, $0x3;
	s24 =	simm.s32 $0x580  }
0x14: {  	s2 =	simm.s32 $0x0;
	s0 =	sadd.s32 s6, s0;
	[dreg:$0x4] =	wrdreg s25  }
0x15: {  	s6 =	sor.u32 $0x1C03, s23;
	[dreg:$0x6] =	wrdreg s26;
	s7 =	sadd.s32 $0x4E00, s9  }
0x16: {  	s23 =	simm.s32 $0x200;
	s25 =	simm.s32 $0x280;
	s0 =	sadd.s32 $0xB9800, s0  }
0x17: {  	s26 =	simm.s32 $0x600;
	[dreg:$0x5] =	wrdreg s0;
	s0 =	simm.s32 $0x780  }
.LBB2_1:
0x18: {  	s8 =	rddreg [dreg:$0x4]  }
0x19: {  	[spmem:s11], [sflag:s6] =	dma.local [hbm:s8], $0x2800  }
0x1a: {  	_ =	swait.ge [sflag:s12], $0x2800  }
0x1b: {  	[sflag:s12] =	ssyncset.done $0x0  }
0x1c: {  	s10 =	smov.u32 s5;
	[sflag:s12] =	ssyncadd.s32 $0xFFFFD800  }
0x1d: {  	s9 =	smov.u32 s7;
	s8 =	simm.s32 $0x0;
	[bflag:$0x0] =	sbarrier.arrive $0xFFFF  }
.LBB2_2:
0x1e: {  	[tilespmem:s3], [sflag:$0x3] =	stream.linear.gather [hbm4b:s10+s3], $0x400, $0x38;
	[tilespmem:$0x1C800] =	vst v63  }
0x1f: {  	_ =	swait.ge [sflag:s12], $0x400  }
0x20: {  	[sflag:s12] =	ssyncset.done $0x0  }
0x21: {  	[sflag:s12] =	ssyncadd.s32 $0xFFFFFC00  }
0x22: {  	[tilespmem:s13], [sflag:$0x3] =	stream.linear.gather [hbm4b:s9+s3], $0x400, $0x38;
	[tilespmem:$0x1C800] =	vst v63  }
0x23: {  	_ =	swait.ge [sflag:s12], $0x400  }
0x24: {  	[sflag:s12] =	ssyncset.done $0x0  }
0x25: {  	[sflag:s12] =	ssyncadd.s32 $0xFFFFFC00  }
0x26: {  	[tilespmem:s15], [sflag:$0x1] =	stream.indirect.gather [hbm4b:s4+s14], $0x80, s3, s14, $0xb8;
	[tilespmem:$0x1C800] =	vst v63  }
0x27: {  	_ = 	snop  }
0x28: {  	[tilespmem:s16], [sflag:$0x2] =	stream.indirect.gather [hbm4b:s4+s14], $0x80, s14, s14, $0xb8;
	[tilespmem:$0x1C800] =	vst v63  }
0x29: {  	_ =	swait.ge [sflag:s17], $0x4000  }
0x2a: {  	[sflag:s17] =	ssyncset.done $0x0  }
0x2b: {  	[sflag:s17] =	ssyncadd.s32 $0xFFFFC000  }
0x2c: {  	[spmem:s1] =	stream.indirect.scatter.add.f32 [tilespmem:s15], [sflag:$0x3], $0x80, s13, s14, $0xb8;
	[tilespmem:$0x1C800] =	vst v63  }
0x2d: {  	_ =	swait.ge [sflag:s12], $0x4000  }
0x2e: {  	[sflag:s12] =	ssyncset.done $0x0  }
0x2f: {  	[sflag:s12] =	ssyncadd.s32 $0xFFFFC000  }
0x30: {  	[tilespmem:s15], [sflag:$0x1] =	stream.indirect.gather [hbm4b:s4+s14], $0x80, s18, s14, $0xb8;
	[tilespmem:$0x1C800] =	vst v63  }
0x31: {  	_ =	swait.ge [sflag:s19], $0x4000  }
0x32: {  	[sflag:s19] =	ssyncset.done $0x0  }
0x33: {  	[sflag:s19] =	ssyncadd.s32 $0xFFFFC000  }
0x34: {  	[spmem:s1] =	stream.indirect.scatter.add.f32 [tilespmem:s16], [sflag:$0x3], $0x80, s20, s14, $0xb8;
	[tilespmem:$0x1C800] =	vst v63  }
0x35: {  	_ =	swait.ge [sflag:s12], $0x4000  }
0x36: {  	[sflag:s12] =	ssyncset.done $0x0  }
0x37: {  	[sflag:s12] =	ssyncadd.s32 $0xFFFFC000  }
0x38: {  	[tilespmem:s16], [sflag:$0x2] =	stream.indirect.gather [hbm4b:s4+s14], $0x80, s21, s14, $0xb8;
	[tilespmem:$0x1C800] =	vst v63  }
0x39: {  	_ =	swait.ge [sflag:s17], $0x4000  }
0x3a: {  	[sflag:s17] =	ssyncset.done $0x0  }
0x3b: {  	[sflag:s17] =	ssyncadd.s32 $0xFFFFC000  }
0x3c: {  	[spmem:s1] =	stream.indirect.scatter.add.f32 [tilespmem:s15], [sflag:$0x3], $0x80, s22, s14, $0xb8;
	[tilespmem:$0x1C800] =	vst v63  }
0x3d: {  	_ =	swait.ge [sflag:s12], $0x4000  }
0x3e: {  	[sflag:s12] =	ssyncset.done $0x0  }
0x3f: {  	[sflag:s12] =	ssyncadd.s32 $0xFFFFC000  }
0x40: {  	[tilespmem:s15], [sflag:$0x1] =	stream.indirect.gather [hbm4b:s4+s14], $0x80, s23, s14, $0xb8;
	[tilespmem:$0x1C800] =	vst v63  }
0x41: {  	_ =	swait.ge [sflag:s19], $0x4000  }
0x42: {  	[sflag:s19] =	ssyncset.done $0x0  }
0x43: {  	[sflag:s19] =	ssyncadd.s32 $0xFFFFC000  }
0x44: {  	[spmem:s1] =	stream.indirect.scatter.add.f32 [tilespmem:s16], [sflag:$0x3], $0x80, s24, s14, $0xb8;
	[tilespmem:$0x1C800] =	vst v63  }
0x45: {  	_ =	swait.ge [sflag:s12], $0x4000  }
0x46: {  	[sflag:s12] =	ssyncset.done $0x0  }
0x47: {  	[sflag:s12] =	ssyncadd.s32 $0xFFFFC000  }
0x48: {  	[tilespmem:s16], [sflag:$0x2] =	stream.indirect.gather [hbm4b:s4+s14], $0x80, s25, s14, $0xb8;
	[tilespmem:$0x1C800] =	vst v63  }
0x49: {  	_ =	swait.ge [sflag:s17], $0x4000  }
0x4a: {  	[sflag:s17] =	ssyncset.done $0x0  }
0x4b: {  	[sflag:s17] =	ssyncadd.s32 $0xFFFFC000  }
0x4c: {  	[spmem:s1] =	stream.indirect.scatter.add.f32 [tilespmem:s15], [sflag:$0x3], $0x80, s26, s14, $0xb8;
	[tilespmem:$0x1C800] =	vst v63  }
0x4d: {  	_ =	swait.ge [sflag:s12], $0x4000  }
0x4e: {  	[sflag:s12] =	ssyncset.done $0x0  }
0x4f: {  	[sflag:s12] =	ssyncadd.s32 $0xFFFFC000  }
0x50: {  	[tilespmem:s15], [sflag:$0x1] =	stream.indirect.gather [hbm4b:s4+s14], $0x80, s28, s14, $0xb8;
	[tilespmem:$0x1C800] =	vst v63  }
0x51: {  	_ =	swait.ge [sflag:s19], $0x4000  }
0x52: {  	[sflag:s19] =	ssyncset.done $0x0  }
0x53: {  	[sflag:s19] =	ssyncadd.s32 $0xFFFFC000  }
0x54: {  	[spmem:s1] =	stream.indirect.scatter.add.f32 [tilespmem:s16], [sflag:$0x3], $0x80, s29, s14, $0xb8;
	[tilespmem:$0x1C800] =	vst v63  }
0x55: {  	_ =	swait.ge [sflag:s12], $0x4000  }
0x56: {  	[sflag:s12] =	ssyncset.done $0x0  }
0x57: {  	[sflag:s12] =	ssyncadd.s32 $0xFFFFC000  }
0x58: {  	[tilespmem:s16], [sflag:$0x2] =	stream.indirect.gather [hbm4b:s4+s14], $0x80, s30, s14, $0xb8;
	[tilespmem:$0x1C800] =	vst v63  }
0x59: {  	_ =	swait.ge [sflag:s17], $0x4000  }
0x5a: {  	[sflag:s17] =	ssyncset.done $0x0  }
0x5b: {  	[sflag:s17] =	ssyncadd.s32 $0xFFFFC000  }
0x5c: {  	[spmem:s1] =	stream.indirect.scatter.add.f32 [tilespmem:s15], [sflag:$0x3], $0x80, s31, s14, $0xb8;
	[tilespmem:$0x1C800] =	vst v63  }
0x5d: {  	_ =	swait.ge [sflag:s12], $0x4000  }
0x5e: {  	[sflag:s12] =	ssyncset.done $0x0  }
0x5f: {  	[sflag:s12] =	ssyncadd.s32 $0xFFFFC000  }
0x60: {  	p1 =	slt.u32 @!p0 s8, $0x12;
	_ =	swait.ge [sflag:s19], $0x4000  }
0x61: {  	p1 =	por p0, !p1;
	[sflag:s19] =	ssyncset.done $0x0  }
.Ltmp0:
0x62: {  	[sflag:s19] =	ssyncadd.s32 $0xFFFFC000;
	(pc) =	sbr.rel @!p1 .LBB2_2-.Ltmp0, $4  }
0x63: {  	[spmem:s1] =	stream.indirect.scatter.add.f32 [tilespmem:s16], [sflag:$0x3], $0x80, s0, s14, $0xb8;
	[tilespmem:$0x1C800] =	vst v63  }
0x64: {  	_ =	swait.ge [sflag:s12], $0x4000  }
0x65: {  	s8 =	sadd.s32 $0x1, s8;
	[sflag:s12] =	ssyncset.done $0x0  }
0x66: {  	s10 =	sadd.s32 $0x80, s10;
	s9 =	sadd.s32 $0x80, s9;
	[sflag:s12] =	ssyncadd.s32 $0xFFFFC000  }
0x67: {  	[bflag:$0x0] =	sbarrier.arrive $0xFFFF  }
0x68: {  	s8 =	rddreg [dreg:$0x5]  }
0x69: {  	[hbm:s8], [sflag:s6] =	dma.local [spmem:s11], $0x2800  }
0x6a: {  	_ =	swait.ge [sflag:s12], $0x2800  }
0x6b: {  	s2 =	sadd.s32 $0x1, s2;
	s10 =	rddreg [dreg:$0x6]  }
0x6c: {  	p1 =	sne.s32 s2, s10  }
.Ltmp1:
0x6d: {  	_ = 	snop;
	(pc) =	sbr.rel @p1 .LBB2_1-.Ltmp1, $3  }
0x6e: {  	_ =	sdelay $0x1  }
0x6f: {  	[sflag:s12] =	ssyncset.done $0x0  }
0x70: {  	[sflag:s12] =	ssyncadd.s32 $0xFFFFD800  }
0x71: {  	_ =	sfence.sel $0x180000  }
0x72: {  	[bflag:$0x0] =	sbarrier.arrive $0xFFFF  }
0x73: {  	_ =	strace $0x9000004D  }
0x74: {  	s0 =	stileid.u32;
	[bflag:$0x2] =	sbarrier.arrive $0xFFFF  }
0x75: {  	p0 =	sne.s32 s0, $0x0;
	s0 =	rddreg [dreg:$0x3]  }
0x76: {  	s0 =	sadd.s32 @!p0 $0x100000, s0  }
0x77: {  	[sflag:s0] =	ssyncadd.tile.s32 @!p0 $0x1;
	_ =	shalt  }
.Lfunc_end2:
_tile_overlayer_lowered:
.L_overlay_start_2:
0x78: {  	(tag) =	ssettag $0x2  }
0x79: {  	s0 =	rddreg [dreg:$0x0];
	s2 =	stileid.u32  }
0x7a: {  	s1 =	rddreg [dreg:$0x1];
	p0 =	sne.s32 s2, $0x0  }
0x7b: {  	s3 =	rddreg [dreg:$0x2];
	[bflag:$0x3] =	sbarrier.arrive $0xFFFF;
	s2 =	simm.s32 @!p0 $0x1C03  }
0x7c: {  	[timem:s3], [sflag:s2] =	dma.local @!p0 [hbm:s0], s1  }
0x7d: {  	s0 =	simm.s32 @!p0 $0x3  }
0x7e: {  	_ =	swait.ge @!p0 [sflag:s0], s1  }
0x7f: {  	s1 =	ssub.s32 @!p0 $0x0, s1;
	[sflag:s0] =	ssyncset.done @!p0 $0x0  }
0x80: {  	[sflag:s0] =	ssyncadd.s32 @!p0 s1  }
0x81: {  	[bflag:$0x3] =	sbarrier.arrive $0xFFFF  }
0x82: {  	_ =	shalt  }

// kernel: kernel.9.cloned.1.call-start
scs
__scs_entry_jumppad:
0x0: {  	(pc) =	sbr.rel $0x88, $3  }
0x1: {  	(tag) =	ssettag $0x0;
	lr =	simm.s32 $0x1  }
0x2: {  	[smem:$0x3F90] =	sst lr;
	_ =	strace $0xD0000000  }
0x3: {  	_ = 	snop  }
0x4: {  	_ = 	snop  }
0x5: {  	_ = 	snop  }
0x6: {  	_ = 	snop  }
0x7: {  	_ = 	snop  }
__scs_overlays_trampoline_lowered:
0x8: {  	[smem:$0x3F9F] =	sst s0  }
0x9: {  	[smem:$0x3FA0] =	sst s1  }
0xa: {  	[smem:$0x3FA1] =	sst s2  }
0xb: {  	[smem:$0x3FA2] =	sst s3  }
0xc: {  	[smem:$0x3FA3] =	sst s4  }
0xd: {  	[smem:$0x3FA4] =	sst s5  }
0xe: {  	[smem:$0x3FA5] =	sst s6  }
0xf: {  	[smem:$0x3FA6] =	sst s7  }
0x10: {  	[smem:$0x3FA7] =	sst s8  }
0x11: {  	[smem:$0x3FA8] =	sst s9;
	s0 =	simm.s32 @!p0 $0x0  }
0x12: {  	s1 =	sld [smem:$0x3F8E];
	s0 =	simm.s32 @p0 $0x1  }
0x13: {  	[smem:$0x3FA9] =	sst s0;
	s0 =	simm.s32 @!p1 $0x0  }
0x14: {  	s2 =	sld [smem:$0x3F8D];
	s0 =	simm.s32 @p1 $0x1  }
0x15: {  	[smem:$0x3FAA] =	sst s0;
	s0 =	simm.s32 @!p2 $0x0  }
0x16: {  	s3 =	sld [smem:$0x3FDB];
	s0 =	simm.s32 @p2 $0x1  }
0x17: {  	s4 =	simm.s32 $0x1BF5;
	[smem:$0x3FAC] =	sst s0  }
0x18: {  	s0 =	sld [smem:$0x3F8F];
	_ =	swait.ge [sflag:s4], $0x0  }
0x19: {  	s7 =	sld [smem:$0x3F90]  }
0x1a: {  	s8 =	sadd.s32 $0xFFFFE003, lr  }
0x1b: {  	s9 =	sadd.s32 $0xFFFFFEF7, lr;
	s5 =	simm.s32 $0xFFFFFFFF;
	p2 =	slt.u32 s8, $0xFFFFF086  }
0x1c: {  	p1 =	slt.u32 s9, $0xF7A;
	s5 =	simm.s32 @!p2 $0x0  }
0x1d: {  	s5 =	simm.s32 @p1 $0x1;
	p0 =	seq.s32 s7, s2  }
0x1e: {  	s7 =	smul.u32 @!p0 $0xF7A, s2;
	p2 =	seq.s32 @!p0 s5, $0x0  }
0x1f: {  	s9 =	smul.u32 $0xF7A, s1;
	s8 =	simm.s32 @!p0 $0x1BF5;
	p2 =	por !p2, p0  }
0x20: {  	[sflag:s8] =	ssyncset.s32 @!p0 $0xFFFFF086;
	s6 =	sadd.s32 @!p0 s3, s7;
	s7 =	simm.s32 @!p0 $0x108  }
0x21: {  	s3 =	sadd.s32 s3, s9;
	s6 =	sadd.s32 @!p0 $0x88, s6;
	s7 =	simm.s32 @p2 $0x1082  }
0x22: {  	[simem:s7], [sflag:s8] =	dma.local @!p0 [hbm:s6], $0xF7A  }
0x23: {  	s9 =	sor.u32 $0xD0000000, s2;
	s6 =	simm.s32 $0x108;
	_ =	swait.ge @!p0 [sflag:s8], $0x0  }
0x24: {  	s3 =	sadd.s32 $0x88, s3;
	s6 =	simm.s32 @!p1 $0x1082;
	[sflag:s4] =	ssyncset.s32 $0xFFFFF086  }
0x25: {  	[simem:s6], [sflag:s4] =	dma.local [hbm:s3], $0xF7A  }
0x26: {  	[smem:$0x3F90] =	sst s1;
	(tag) =	ssettag s2;
	_ =	strace s9  }
0x27: {  	s1 =	sld [smem:$0x3FA0]  }
0x28: {  	s2 =	sld [smem:$0x3FA1]  }
0x29: {  	s4 =	sld [smem:$0x3FA3]  }
0x2a: {  	p0 =	seq.s32 s5, $0x0;
	s5 =	sld [smem:$0x3FA4]  }
0x2b: {  	s6 =	sld [smem:$0x3FA5]  }
0x2c: {  	s7 =	sld [smem:$0x3FA6]  }
0x2d: {  	s3 =	simm.s32 $0x108;
	s8 =	sld [smem:$0x3FA7]  }
0x2e: {  	s3 =	simm.s32 @!p0 $0x1082;
	s9 =	sld [smem:$0x3FA8]  }
0x2f: {  	lr =	sadd.s32 s0, s3;
	s0 =	sld [smem:$0x3F9F]  }
0x30: {  	s3 =	sld [smem:$0x3FA2]  }
0x31: {  	[smem:$0x3FAB] =	sst s10  }
0x32: {  	s10 =	sld [smem:$0x3FA9];
	_ =	sdelay $0x3  }
0x33: {  	p0 =	seq.s32 s10, $0x1;
	s10 =	sld [smem:$0x3FAB];
	_ =	sdelay $0x3  }
0x34: {  	[smem:$0x3FAB] =	sst s10  }
0x35: {  	s10 =	sld [smem:$0x3FAA];
	_ =	sdelay $0x3  }
0x36: {  	p1 =	seq.s32 s10, $0x1;
	s10 =	sld [smem:$0x3FAB];
	_ =	sdelay $0x3  }
0x37: {  	[smem:$0x3FAB] =	sst s10  }
0x38: {  	s10 =	sld [smem:$0x3FAC]  }
0x39: {  	_ = 	snop;
	(pc) =	sbr.ind lr, $3  }
0x3a: {  	_ = 	snop  }
0x3b: {  	_ = 	snop  }
0x3c: {  	p2 =	seq.s32 s10, $0x1;
	s10 =	sld [smem:$0x3FAB]  }
0x3d: {  	_ =	shalt  }
0x3e: {  	_ =	shalt  }
0x3f: {  	_ =	shalt  }
0x40: {  	_ =	shalt  }
0x41: {  	_ =	shalt  }
0x42: {  	_ =	shalt  }
0x43: {  	_ =	shalt  }
0x44: {  	_ =	shalt  }
0x45: {  	_ =	shalt  }
0x46: {  	_ =	shalt  }
0x47: {  	_ =	shalt  }
0x48: {  	_ =	shalt  }
0x49: {  	_ =	shalt  }
0x4a: {  	_ =	shalt  }
0x4b: {  	_ =	shalt  }
0x4c: {  	_ =	shalt  }
0x4d: {  	_ =	shalt  }
0x4e: {  	_ =	shalt  }
0x4f: {  	_ =	shalt  }
0x50: {  	_ =	shalt  }
0x51: {  	_ =	shalt  }
0x52: {  	_ =	shalt  }
0x53: {  	_ =	shalt  }
0x54: {  	_ =	shalt  }
0x55: {  	_ =	shalt  }
0x56: {  	_ =	shalt  }
0x57: {  	_ =	shalt  }
0x58: {  	_ =	shalt  }
0x59: {  	_ =	shalt  }
0x5a: {  	_ =	shalt  }
0x5b: {  	_ =	shalt  }
0x5c: {  	_ =	shalt  }
0x5d: {  	_ =	shalt  }
0x5e: {  	_ =	shalt  }
0x5f: {  	_ =	shalt  }
0x60: {  	_ =	shalt  }
0x61: {  	_ =	shalt  }
0x62: {  	_ =	shalt  }
0x63: {  	_ =	shalt  }
0x64: {  	_ =	shalt  }
0x65: {  	_ =	shalt  }
0x66: {  	_ =	shalt  }
0x67: {  	_ =	shalt  }
0x68: {  	_ =	shalt  }
0x69: {  	_ =	shalt  }
0x6a: {  	_ =	shalt  }
0x6b: {  	_ =	shalt  }
0x6c: {  	_ =	shalt  }
0x6d: {  	_ =	shalt  }
0x6e: {  	_ =	shalt  }
0x6f: {  	_ =	shalt  }
0x70: {  	_ =	shalt  }
0x71: {  	_ =	shalt  }
0x72: {  	_ =	shalt  }
0x73: {  	_ =	shalt  }
0x74: {  	_ =	shalt  }
0x75: {  	_ =	shalt  }
0x76: {  	_ =	shalt  }
0x77: {  	_ =	shalt  }
0x78: {  	_ =	shalt  }
0x79: {  	_ =	shalt  }
0x7a: {  	_ =	shalt  }
0x7b: {  	_ =	shalt  }
0x7c: {  	_ =	shalt  }
0x7d: {  	_ =	shalt  }
0x7e: {  	_ =	shalt  }
0x7f: {  	_ =	shalt  }
0x80: {  	_ =	shalt  }
0x81: {  	_ =	shalt  }
0x82: {  	_ =	shalt  }
0x83: {  	_ =	shalt  }
0x84: {  	_ =	shalt  }
0x85: {  	_ =	shalt  }
0x86: {  	_ =	shalt  }
0x87: {  	_ =	shalt  }
.Lfunc_end0:
.L_simem_size_0:
called_computation_lowered:
.L_overlay_start_0:
0x88: {  	s2 =	sld [smem:$0x3FD9]  }
0x89: {  	s3 =	sld [smem:$0x3FFE];
	_ =	sdelay $0x1  }
0x8a: {  	s1 =	srdreg.scid  }
0x8b: {  	s0 =	sand.u32 $0x1, s1  }
0x8c: {  	s16 =	sshll.u32 s0, $0xA;
	s2 =	sadd.s32 s3, s2  }
0x8d: {  	s2 =	sadd.s32 s2, s16  }
0x8e: {  	[smem:$0x3FB7] =	sst s2  }
0x8f: {  	_ = 	snop  }
0x90: {  	(tm) =	ssettm $0x1  }
0x91: {  	s17 =	sld [smem:$0x3FFB];
	_ =	sdelay $0x3  }
0x92: {  	_ =	strace s17  }
0x93: {  	s2 =	sld [smem:$0x3FFC];
	_ =	sdelay $0x3  }
0x94: {  	_ =	strace s2  }
0x95: {  	s2 =	sld [smem:$0x3FFD];
	_ =	sdelay $0x3  }
0x96: {  	_ =	strace s2  }
0x97: {  	_ =	strace $0x8FFFFFFF  }
0x98: {  	s18 =	sld [smem:$0x3FDB];
	_ =	sdelay $0x1  }
0x99: {  	s19 =	simm.s32 $_scs_section_size  }
0x9a: {  	s4 =	simm.s32 $_size__tile_overlayer_lowered;
	s5 =	simm.s32 $_tile_overlayer_lowered  }
0x9b: {  	s22 =	simm.s32 $0x1BFF;
	s21 =	sshll.u32 s5, $0x1;
	s2 =	sadd.s32 s19, s18  }
0x9c: {  	s6 =	simm.s32 $0x0;
	s20 =	sshll.u32 s4, $0x1;
	s4 =	sadd.s32 s21, s2  }
0x9d: {  	[timem:s6], [sflag:s22] =	dma.local [hbm:s4], s20  }
0x9e: {  	_ =	swait.ge [sflag:s22], s20  }
0x9f: {  	s3 =	ssub.s32 $0x0, s20;
	[sflag:s22] =	ssyncset.done $0x0  }
0xa0: {  	[sflag:s22] =	ssyncadd.s32 s3;
	_ =	sdelay $0x1  }
0xa1: {  	s23 =	simm.s32 $0x1B8B  }
0xa2: {  	_ =	swait.ge [sflag:s23], $0x1  }
0xa3: {  	[sflag:s23] =	ssyncset.done $0x0  }
0xa4: {  	s25 =	simm.s32 $0x1B8E;
	s24 =	sld [smem:$0x3FFE];
	[sflag:s23] =	ssyncadd.s32 $0xFFFFFFFF  }
0xa5: {  	s26 =	simm.s32 $execute0_lowered;
	[smem:$0x3FD2] =	sst s25  }
0xa6: {  	s4 =	sshll.u32 s26, $0x1;
	_ =	strace $0x80000046;
	[dreg:$0x1] =	wrdreg $0xFFFFFFFF  }
0xa7: {  	s28 =	simm.s32 $_size_execute0_lowered;
	s2 =	sadd.s32 s2, s4;
	[dreg:$0x0] =	wrdreg $0x0  }
0xa8: {  	s4 =	sshll.u32 s28, $0x1;
	[dreg:$0x2] =	wrdreg s2  }
0xa9: {  	[dreg:$0x3] =	wrdreg s4  }
0xaa: {  	[dreg:$0x4] =	wrdreg $0xC0  }
0xab: {  	_ =	task [dreg:s6], $0x5FFFF  }
0xac: {  	[dreg:$0x1] =	wrdreg $0xFFFFFFFF  }
0xad: {  	[dreg:$0x0] =	wrdreg $0x60  }
0xae: {  	[dreg:$0x2] =	wrdreg s24  }
0xaf: {  	[dreg:$0x3] =	wrdreg $0x9  }
0xb0: {  	_ =	task.clear_ibuf [dreg:s6], $0x4FFFF;
	_ =	strace $0x90000046  }
0xb1: {  	s29 =	simm.s32 $0x9;
	_ =	strace $0x80000048  }
0xb2: {  	_ =	swait.ge [sflag:s29], $0x1  }
0xb3: {  	[sflag:s29] =	ssyncadd.s32 $0xFFFFFFFF  }
0xb4: {  	_ =	strace $0x90000048  }
0xb5: {  	_ =	sfence  }
0xb6: {  	s30 =	sld [smem:$0x0];
	_ =	sdelay $0x2  }
0xb7: {  	s31 =	sshll.u32 s1, $0xD;
	s1 =	sshrl.u32 s1, $0x2  }
0xb8: {  	s3 =	sand.u32 $0x4000, s31;
	s1 =	sadd.s32 s1, s30  }
0xb9: {  	s0 =	sor.u32 s3, s0;
	s1 =	sshll.u32 s1, $0x11  }
0xba: {  	s0 =	sor.u32 s1, s0  }
0xbb: {  	s0 =	sadd.s32 $0x8F2B, s0  }
0xbc: {  	[sflag:s0] =	ssyncadd.remote.s32 $0x1  }
0xbd: {  	_ =	sfence.sel $0xFFFF  }
0xbe: {  	[dreg:$0x0] =	wrdreg $0xFFFFFFFF;
	(pc) =	sbr.abs _section_cstart, $3  }
0xbf: {  	[dreg:$0x1] =	wrdreg $0xFFFFFFFF  }
0xc0: {  	_ =	task.clear_ibuf [dreg:s6], $0x2FFFF;
	_ =	strace $0x9FFFFFFF  }
0xc1: {  	(tm) =	ssettm $0x7FFFFFFF  }
tec
execute0_lowered:
.L_overlay_start_1:
0x0: {  	(tag) =	ssettag $0x1  }
0x1: {  	s0 =	srdreg.scid  }
0x2: {  	s4 =	rddreg [dreg:$0x0];
	s2 =	simm.s32 $0x0;
	s3 =	sand.u32 $0x1, s0  }
0x3: {  	s8 =	simm.s32 $0x1;
	s0 =	stileid.u32;
	s1 =	sshll.u32 s3, $0x4  }
0x4: {  	s9 =	simm.s32 $0x80;
	s10 =	simm.s32 $0x400;
	s5 =	sor.u32 s0, s1  }
0x5: {  	s11 =	simm.s32 $0x0;
	[smem:$0x7FF] =	sst s2;
	s6 =	sshrl.u32 s5, $0x3  }
0x6: {  	s7 =	sshll.u32 s0, $0x7;
	s30 =	ssub.s32 $0x2, s3;
	s6 =	smul.u32 $0x14000, s6  }
0x7: {  	s3 =	sadd.s32 $0xEE00, s4;
	s7 =	sand.u32 $0x380, s7;
	s5 =	smul.u32 $0x500, s5  }
0x8: {  	s1 =	rddreg [dreg:$0x1];
	_ =	strace $0x80000047;
	s6 =	sor.u32 s7, s6  }
0x9: {  	s31 =	sshrl.u32 s30, $0x1;
	s5 =	sadd.s32 s5, s4;
	s6 =	sshrl.u32 s6, $0x3  }
0xa: {  	s7 =	ssub.s32 s30, s31;
	s6 =	sadd.s32 s6, s4;
	s4 =	sadd.s32 $0x4E00, s5  }
0xb: {  	v0 =	vimm.f32 $1.000000000e+00;
	s5 =	sadd.s32 $0xF400, s6;
	s6 =	smax.u32 s7, $0x1;
	s7 =	simm.s32 $0x2800  }
.LBB2_1:
0xc: {  	[tilespmem:s7], [sflag:$0x1] =	stream.linear.gather [hbm4b:s3+s2], $0x2800, $0x38;
	[tilespmem:$0x5000] =	vst v63  }
0xd: {  	_ =	swait.ge [sflag:s8], $0x2800  }
0xe: {  	[sflag:s8] =	ssyncset.done $0x0  }
0xf: {  	[sflag:s8] =	ssyncadd.s32 $0xFFFFD800  }
0x10: {  	[tilespmem:s2], [sflag:$0x1] =	stream.linear.gather [hbm4b:s4+s2], $0x2800, $0x38;
	[tilespmem:$0x5000] =	vst v63  }
0x11: {  	_ =	swait.ge [sflag:s8], $0x2800  }
0x12: {  	[sflag:s8] =	ssyncset.done $0x0  }
0x13: {  	s12 =	simm.s32 $0x1C0;
	[sflag:s8] =	ssyncadd.s32 $0xFFFFD800  }
.LBB2_2:
0x14: {  	s13 =	sshra.s32 s12, $0x2  }
0x15: {  	v1 =	vld [tilespmem:s13+$0xFFFFFF90];
	_ =	sdelay $0x7  }
0x16: {  	[tilespmem:v1+s7+$0x0] =	vst.idx.add.f32.msk $0xffff, v0  }
0x17: {  	v1 =	vld [tilespmem:s13+$0xFFFFFFA0];
	_ =	sdelay $0x7  }
0x18: {  	[tilespmem:v1+s7+$0x0] =	vst.idx.add.f32.msk $0xffff, v0  }
0x19: {  	v1 =	vld [tilespmem:s13+$0xFFFFFFB0];
	_ =	sdelay $0x7  }
0x1a: {  	[tilespmem:v1+s7+$0x0] =	vst.idx.add.f32.msk $0xffff, v0  }
0x1b: {  	v1 =	vld [tilespmem:s13+$0xFFFFFFC0];
	_ =	sdelay $0x7  }
0x1c: {  	[tilespmem:v1+s7+$0x0] =	vst.idx.add.f32.msk $0xffff, v0  }
0x1d: {  	v1 =	vld [tilespmem:s13+$0xFFFFFFD0];
	_ =	sdelay $0x7  }
0x1e: {  	[tilespmem:v1+s7+$0x0] =	vst.idx.add.f32.msk $0xffff, v0  }
0x1f: {  	v1 =	vld [tilespmem:s13+$0xFFFFFFE0];
	_ =	sdelay $0x7  }
0x20: {  	[tilespmem:v1+s7+$0x0] =	vst.idx.add.f32.msk $0xffff, v0  }
0x21: {  	v1 =	vld [tilespmem:s13+$0xFFFFFFF0];
	_ =	sdelay $0x7  }
0x22: {  	[tilespmem:v1+s7+$0x0] =	vst.idx.add.f32.msk $0xffff, v0  }
0x23: {  	v1 =	vld [tilespmem:s13+$0x0];
	_ =	sdelay $0x2  }
0x24: {  	p0 =	sne.s32 s12, $0x9FC0  }
.Ltmp0:
0x25: {  	_ = 	snop;
	(pc) =	sbr.rel @p0 .LBB2_2-.Ltmp0, $2  }
0x26: {  	_ =	sdelay $0x2  }
0x27: {  	s12 =	sadd.s32 $0x200, s12;
	[tilespmem:v1+s7+$0x0] =	vst.idx.add.f32.msk $0xffff, v0  }
0x28: {  	s11 =	sadd.s32 $0x1, s11  }
0x29: {  	p0 =	sne.s32 s11, s6  }
.Ltmp1:
0x2a: {  	_ = 	snop;
	(pc) =	sbr.rel @p0 .LBB2_1-.Ltmp1, $4  }
0x2b: {  	[hbm4b:s5+s9] =	stream.strided.scatter [tilespmem:s7], [sflag:$0x1], $0x2800, s10, s9, $0x38;
	[tilespmem:$0x5000] =	vst v63  }
0x2c: {  	_ =	swait.ge [sflag:s8], $0x2800  }
0x2d: {  	[sflag:s8] =	ssyncset.done $0x0  }
0x2e: {  	[sflag:s8] =	ssyncadd.s32 $0xFFFFD800  }
0x2f: {  	_ =	sfence.sel $0x180000  }
0x30: {  	[bflag:$0x0] =	sbarrier.arrive $0xFFFF  }
0x31: {  	p0 =	sne.s32 s0, $0x0;
	_ =	strace $0x90000047  }
0x32: {  	s0 =	sadd.s32 @!p0 $0x100000, s1;
	[bflag:$0x2] =	sbarrier.arrive $0xFFFF  }
0x33: {  	[sflag:s0] =	ssyncadd.tile.s32 @!p0 $0x1;
	_ =	shalt  }
.Lfunc_end2:
_tile_overlayer_lowered:
.L_overlay_start_2:
0x34: {  	(tag) =	ssettag $0x2  }
0x35: {  	s0 =	rddreg [dreg:$0x0];
	s2 =	stileid.u32  }
0x36: {  	s1 =	rddreg [dreg:$0x1];
	p0 =	sne.s32 s2, $0x0  }
0x37: {  	s3 =	rddreg [dreg:$0x2];
	[bflag:$0x3] =	sbarrier.arrive $0xFFFF;
	s2 =	simm.s32 @!p0 $0x1C01  }
0x38: {  	[timem:s3], [sflag:s2] =	dma.local @!p0 [hbm:s0], s1  }
0x39: {  	s0 =	simm.s32 @!p0 $0x1  }
0x3a: {  	_ =	swait.ge @!p0 [sflag:s0], s1  }
0x3b: {  	s1 =	ssub.s32 @!p0 $0x0, s1;
	[sflag:s0] =	ssyncset.done @!p0 $0x0  }
0x3c: {  	[sflag:s0] =	ssyncadd.s32 @!p0 s1  }
0x3d: {  	[bflag:$0x3] =	sbarrier.arrive $0xFFFF  }
0x3e: {  	_ =	shalt  }

</sc_bundles>
